<compile_context>
chip_gen: v7x
topology: tpu7x:2x2x1
jax: 0.10.2.dev20260603
libtpu: 0.0.44.dev20260713+nightly
codegen_flags: <defaults>
</compile_context>

<pallas_src>
import functools

import jax
import jax.numpy as jnp
from jax import lax
from jax.experimental import pallas as pl
from jax.experimental.pallas import tpu as pltpu
from jax.experimental.pallas import tpu_sc as plsc

N_BITS = 20
OUT_DIM = 16
BATCH = 16384
NROWS = 1 << N_BITS

NUM_CORES = 2
NUM_SUBCORES = 16
LANES = 16
NUM_WORKERS = NUM_CORES * NUM_SUBCORES
BPW = BATCH // NUM_WORKERS
BLK = 128
NBLK = BPW // BLK
GRP = BLK // LANES
BLKW = BLK * OUT_DIM
HALF_WORDS = (NROWS // 128) * 1024


def _code_body(imgt_ref, v_ref, s_ref):
    a = imgt_ref[...]
    pw = jnp.left_shift(
        jnp.int32(1), lax.broadcasted_iota(jnp.int32, (N_BITS, 1), 0)
    )
    v_ref[...] = jnp.sum(jnp.where(a > 0, pw, jnp.int32(0)), axis=0)
    s_ref[...] = jnp.sum(jnp.abs(a), axis=0) * (1.0 / N_BITS)


_code = pl.pallas_call(
    _code_body,
    out_shape=[
        jax.ShapeDtypeStruct((BATCH,), jnp.int32),
        jax.ShapeDtypeStruct((BATCH,), jnp.float32),
    ],
)


def _gather_body(
    v_hbm, scale_hbm, enc_hbm, out_hbm,
    v_v, scale_v, idx_v, outt_v, sem_arr, wsem,
):
    sems = [sem_arr.at[i] for i in range(NBLK)]
    wid = lax.axis_index("s") * NUM_CORES + lax.axis_index("c")
    base = wid * BPW

    pltpu.sync_copy(v_hbm.at[pl.ds(base, BPW)], v_v)
    pltpu.sync_copy(scale_hbm.at[pl.ds(base, BPW)], scale_v)

    copies = []
    for blk in range(NBLK):
        def build_fn(g, carry, blk=blk):
            vv = v_v[pl.ds(blk * BLK + g * LANES, LANES)]
            common = ((vv >> 7) << 10) + (vv & 127)
            for d in range(OUT_DIM):
                i, r = d // 8, d % 8
                idx_v[blk, pl.ds((i * 8 + r) * BLK + g * LANES, LANES)] = (
                    common + (i * HALF_WORDS + r * 128)
                )
            return carry
        lax.fori_loop(0, GRP, build_fn, 0)
        copies.append(
            pltpu.async_copy(
                enc_hbm.at[idx_v.at[blk]], outt_v.at[blk], sems[blk]
            )
        )

    wcopies = []
    for blk in range(NBLK):
        copies[blk].wait()

        svs = [
            scale_v[pl.ds(blk * BLK + g * LANES, LANES)] for g in range(GRP)
        ]

        def mul_fn(d, carry, blk=blk, svs=svs):
            for g in range(GRP):
                sl = pl.ds(d * BLK + g * LANES, LANES)
                outt_v[blk, sl] = outt_v[blk, sl] * svs[g]
            return carry
        lax.fori_loop(0, OUT_DIM, mul_fn, 0)

        for i in range(2):
            src = outt_v.at[blk, pl.ds(i * 8 * BLK, 8 * BLK)]
            dst0 = (i * (BATCH // 128) + wid * NBLK + blk) * 1024
            wcopies.append(
                pltpu.async_copy(src, out_hbm.at[pl.ds(dst0, 8 * BLK)], wsem)
            )
    for cp in wcopies:
        cp.wait()


_gather = functools.partial(
    pl.kernel,
    out_type=jax.ShapeDtypeStruct((2 * (BATCH // 128) * 1024,), jnp.float32),
    mesh=plsc.VectorSubcoreMesh(core_axis_name="c", subcore_axis_name="s"),
    compiler_params=pltpu.CompilerParams(
        needs_layout_passes=False, use_tc_tiling_on_sc=False
    ),
    scratch_types=[
        pltpu.VMEM((BPW,), jnp.int32),
        pltpu.VMEM((BPW,), jnp.float32),
        pltpu.VMEM((NBLK, BLKW), jnp.int32),
        pltpu.VMEM((NBLK, BLKW), jnp.float32),
        pltpu.SemaphoreType.DMA((NBLK,)),
        pltpu.SemaphoreType.DMA,
    ],
)(_gather_body)


def kernel(image, encoding):
    enc_flat = (
        encoding.reshape(NROWS // 128, 128, 2, 8)
        .transpose(2, 0, 3, 1)
        .reshape(-1)
    )
    v, scale = _code(image.T)
    outt = _gather(v, scale, enc_flat)
    return (
        outt.reshape(2, BATCH // 128, 8, 128)
        .transpose(1, 3, 0, 2)
        .reshape(BATCH, OUT_DIM)
    )

# --- scband reference (transcript-rebuilt; emitter-appended) ---
"""Pipeline reference for scband-binary-lookup-25950192403254 (READ-ONLY COPY).

The authoritative reference and input builder live on the scoring server;
editing this copy changes nothing except your own understanding.
"""

import jax, jax.numpy as jnp
import numpy as np

N_BITS = 20
OUT_DIM = 16
BATCH = 16384

def setup_inputs(seed: int = 0) -> dict:
    key = jax.random.key(seed)
    k1, k2 = jax.random.split(key)
    image = jax.random.normal(k1, (BATCH, N_BITS), dtype=jnp.float32)
    encoding = jax.random.normal(k2, (2 ** N_BITS, OUT_DIM), dtype=jnp.float32) * 0.05
    return {"image": image, "encoding": encoding}

def reference(image, encoding):
    N = image.shape[-1]
    e = 2 ** jnp.arange(N, dtype=jnp.int32)
    # broadcast e over leading dims (expand_dims loop in TF == broadcasting here)
    e = e.reshape((1,) * (image.ndim - 1) + (N,))
    idx = jnp.sum(jnp.where(image > 0, e, jnp.int32(0)), axis=-1)
    out = jnp.take(encoding, idx, axis=0)
    out = out * jnp.mean(jnp.abs(image), keepdims=True, axis=-1)
    return out

if __name__ == "__main__":
    import jax
    _d = setup_inputs()
    print(jax.jit(kernel)(*tuple(_d.values())))

</pallas_src>

<mosaic_0001>
#map = affine_map<(d0, d1) -> (0)>
module attributes {stable_mosaic.version = 14 : i64} {
  func.func @_gather_body(%arg0: i32, %arg1: i32, %arg2: memref<16384xi32, #tpu.memory_space<hbm>>, %arg3: memref<16384xf32, #tpu.memory_space<hbm>>, %arg4: memref<16777216xf32, #tpu.memory_space<hbm>>, %arg5: memref<262144xf32, #tpu.memory_space<hbm>>, %arg6: memref<512xi32, #tpu.memory_space<vmem>>, %arg7: memref<512xf32, #tpu.memory_space<vmem>>, %arg8: memref<4x2048xi32, #tpu.memory_space<vmem>>, %arg9: memref<4x2048xf32, #tpu.memory_space<vmem>>, %arg10: memref<4x!tpu.dma_semaphore, #tpu.memory_space<semaphore_mem>>, %arg11: memref<!tpu.dma_semaphore, #tpu.memory_space<semaphore_mem>>) attributes {dimension_semantics = [#tpu.dimension_semantics<core_parallel>, #tpu.dimension_semantics<subcore_parallel>], iteration_bounds = array<i64: 2, 16>, scalar_prefetch = 0 : i64, scratch_operands = 6 : i64, tpu.core_type = #tpu.core_type<sc_vector_subcore>, window_params = [{transform_indices = #map}, {transform_indices = #map}, {transform_indices = #map}, {transform_indices = #map}]} {
    %mul3A = arith.constant 2 : i32
    %mul3A_0 = arith.muli %arg1, %mul3A : i32
    %add3A = arith.addi %mul3A_0, %arg0 : i32
    %mul3A_1 = arith.constant 512 : i32
    %mul3A_2 = arith.muli %add3A, %mul3A_1 : i32
    "tpu.region"() ({
      %run_scoped3A = tpu.sem_alloc : memref<!tpu.dma_semaphore, #tpu.memory_space<semaphore_mem>>
      %dma_start3A_423 = tpu.memref_slice %arg2[%mul3A_2] : memref<16384xi32, #tpu.memory_space<hbm>> -> memref<512xi32, #tpu.memory_space<hbm>>
      %dma_start3A_424 = tpu.memref_slice %arg2[%mul3A_2] : memref<16384xi32, #tpu.memory_space<hbm>> -> memref<512xi32, #tpu.memory_space<hbm>>
      tpu.enqueue_dma source(%dma_start3A_424 : memref<512xi32, #tpu.memory_space<hbm>>) target(%arg6 : memref<512xi32, #tpu.memory_space<vmem>>) target_semaphore(%run_scoped3A : memref<!tpu.dma_semaphore, #tpu.memory_space<semaphore_mem>>)
      %dma_wait3A_425 = tpu.memref_slice %arg2[%mul3A_2] : memref<16384xi32, #tpu.memory_space<hbm>> -> memref<512xi32, #tpu.memory_space<hbm>>
      %dma_wait3A_426 = tpu.memref_slice %arg2[%mul3A_2] : memref<16384xi32, #tpu.memory_space<hbm>> -> memref<512xi32, #tpu.memory_space<hbm>>
      tpu.wait_dma2 semaphore(%run_scoped3A : memref<!tpu.dma_semaphore, #tpu.memory_space<semaphore_mem>>) src(%dma_wait3A_426 : memref<512xi32, #tpu.memory_space<hbm>>) dst(%arg6 : memref<512xi32, #tpu.memory_space<vmem>>)
      tpu.yield
    }) : () -> ()
    "tpu.region"() ({
      %run_scoped3A = tpu.sem_alloc : memref<!tpu.dma_semaphore, #tpu.memory_space<semaphore_mem>>
      %dma_start3A_423 = tpu.memref_slice %arg3[%mul3A_2] : memref<16384xf32, #tpu.memory_space<hbm>> -> memref<512xf32, #tpu.memory_space<hbm>>
      %dma_start3A_424 = tpu.memref_slice %arg3[%mul3A_2] : memref<16384xf32, #tpu.memory_space<hbm>> -> memref<512xf32, #tpu.memory_space<hbm>>
      tpu.enqueue_dma source(%dma_start3A_424 : memref<512xf32, #tpu.memory_space<hbm>>) target(%arg7 : memref<512xf32, #tpu.memory_space<vmem>>) target_semaphore(%run_scoped3A : memref<!tpu.dma_semaphore, #tpu.memory_space<semaphore_mem>>)
      %dma_wait3A_425 = tpu.memref_slice %arg3[%mul3A_2] : memref<16384xf32, #tpu.memory_space<hbm>> -> memref<512xf32, #tpu.memory_space<hbm>>
      %dma_wait3A_426 = tpu.memref_slice %arg3[%mul3A_2] : memref<16384xf32, #tpu.memory_space<hbm>> -> memref<512xf32, #tpu.memory_space<hbm>>
      tpu.wait_dma2 semaphore(%run_scoped3A : memref<!tpu.dma_semaphore, #tpu.memory_space<semaphore_mem>>) src(%dma_wait3A_426 : memref<512xf32, #tpu.memory_space<hbm>>) dst(%arg7 : memref<512xf32, #tpu.memory_space<vmem>>)
      tpu.yield
    }) : () -> ()
    %scan3A = arith.constant 0 : i32
    %scan3A_3 = arith.constant 0 : i32
    %scan3A_4 = arith.constant 8 : i32
    %scan3A_5 = arith.addi %scan3A_3, %scan3A_4 : i32
    %scan3A_6 = arith.constant 1 : i32
    scf.for %scan3A_423 = %scan3A_3 to %scan3A_5 step %scan3A_6  : i32 {
      %mul3A_424 = arith.constant 16 : i32
      %mul3A_425 = arith.muli %scan3A_423, %mul3A_424 : i32
      %add3A_426 = arith.constant 0 : i32
      %add3A_427 = arith.addi %add3A_426, %mul3A_425 : i32
      %get3A_428 = arith.index_cast %add3A_427 : i32 to index
      %get3A_429 = tpu.vector_load %arg6[%get3A_428] {strides = array<i32>} : memref<512xi32, #tpu.memory_space<vmem>>, vector<16xi32>,
      %shift_right_arithmetic3A = arith.constant 7 : i32
      %shift_right_arithmetic3A_430 = vector.broadcast %shift_right_arithmetic3A : i32 to vector<16xi32>
      %shift_right_arithmetic3A_431 = arith.shrsi %get3A_429, %shift_right_arithmetic3A_430 : vector<16xi32>
      %shift_left3A = arith.constant 10 : i32
      %shift_left3A_432 = vector.broadcast %shift_left3A : i32 to vector<16xi32>
      %shift_left3A_433 = arith.shli %shift_right_arithmetic3A_431, %shift_left3A_432 : vector<16xi32>
      %and3A = arith.constant 127 : i32
      %and3A_434 = vector.broadcast %and3A : i32 to vector<16xi32>
      %and3A_435 = arith.andi %get3A_429, %and3A_434 : vector<16xi32>
      %add3A_436 = arith.addi %shift_left3A_433, %and3A_435 : vector<16xi32>
      %add3A_437 = arith.constant 0 : i32
      %add3A_438 = vector.broadcast %add3A_437 : i32 to vector<16xi32>
      %add3A_439 = arith.addi %add3A_436, %add3A_438 : vector<16xi32>
      %mul3A_440 = arith.constant 16 : i32
      %mul3A_441 = arith.muli %scan3A_423, %mul3A_440 : i32
      %add3A_442 = arith.constant 0 : i32
      %add3A_443 = arith.addi %add3A_442, %mul3A_441 : i32
      %swap3A = arith.constant 0 : i32
      %swap3A_444 = arith.index_cast %swap3A : i32 to index
      %swap3A_445 = arith.index_cast %add3A_443 : i32 to index
      %swap3A_446 = tpu.vector_load %arg8[%swap3A_444, %swap3A_445] {strides = array<i32>} : memref<4x2048xi32, #tpu.memory_space<vmem>>, vector<16xi32>,
      tpu.vector_store %arg8[%swap3A_444, %swap3A_445], %add3A_439 {strides = array<i32>} : memref<4x2048xi32, #tpu.memory_space<vmem>>, vector<16xi32>,
      %add3A_447 = arith.constant 128 : i32
      %add3A_448 = vector.broadcast %add3A_447 : i32 to vector<16xi32>
      %add3A_449 = arith.addi %add3A_436, %add3A_448 : vector<16xi32>
      %mul3A_450 = arith.constant 16 : i32
      %mul3A_451 = arith.muli %scan3A_423, %mul3A_450 : i32
      %add3A_452 = arith.constant 128 : i32
      %add3A_453 = arith.addi %add3A_452, %mul3A_451 : i32
      %swap3A_454 = arith.constant 0 : i32
      %swap3A_455 = arith.index_cast %swap3A_454 : i32 to index
      %swap3A_456 = arith.index_cast %add3A_453 : i32 to index
      %swap3A_457 = tpu.vector_load %arg8[%swap3A_455, %swap3A_456] {strides = array<i32>} : memref<4x2048xi32, #tpu.memory_space<vmem>>, vector<16xi32>,
      tpu.vector_store %arg8[%swap3A_455, %swap3A_456], %add3A_449 {strides = array<i32>} : memref<4x2048xi32, #tpu.memory_space<vmem>>, vector<16xi32>,
      %add3A_458 = arith.constant 256 : i32
      %add3A_459 = vector.broadcast %add3A_458 : i32 to vector<16xi32>
      %add3A_460 = arith.addi %add3A_436, %add3A_459 : vector<16xi32>
      %mul3A_461 = arith.constant 16 : i32
      %mul3A_462 = arith.muli %scan3A_423, %mul3A_461 : i32
      %add3A_463 = arith.constant 256 : i32
      %add3A_464 = arith.addi %add3A_463, %mul3A_462 : i32
      %swap3A_465 = arith.constant 0 : i32
      %swap3A_466 = arith.index_cast %swap3A_465 : i32 to index
      %swap3A_467 = arith.index_cast %add3A_464 : i32 to index
      %swap3A_468 = tpu.vector_load %arg8[%swap3A_466, %swap3A_467] {strides = array<i32>} : memref<4x2048xi32, #tpu.memory_space<vmem>>, vector<16xi32>,
      tpu.vector_store %arg8[%swap3A_466, %swap3A_467], %add3A_460 {strides = array<i32>} : memref<4x2048xi32, #tpu.memory_space<vmem>>, vector<16xi32>,
      %add3A_469 = arith.constant 384 : i32
      %add3A_470 = vector.broadcast %add3A_469 : i32 to vector<16xi32>
      %add3A_471 = arith.addi %add3A_436, %add3A_470 : vector<16xi32>
      %mul3A_472 = arith.constant 16 : i32
      %mul3A_473 = arith.muli %scan3A_423, %mul3A_472 : i32
      %add3A_474 = arith.constant 384 : i32
      %add3A_475 = arith.addi %add3A_474, %mul3A_473 : i32
      %swap3A_476 = arith.constant 0 : i32
      %swap3A_477 = arith.index_cast %swap3A_476 : i32 to index
      %swap3A_478 = arith.index_cast %add3A_475 : i32 to index
      %swap3A_479 = tpu.vector_load %arg8[%swap3A_477, %swap3A_478] {strides = array<i32>} : memref<4x2048xi32, #tpu.memory_space<vmem>>, vector<16xi32>,
      tpu.vector_store %arg8[%swap3A_477, %swap3A_478], %add3A_471 {strides = array<i32>} : memref<4x2048xi32, #tpu.memory_space<vmem>>, vector<16xi32>,
      %add3A_480 = arith.constant 512 : i32
      %add3A_481 = vector.broadcast %add3A_480 : i32 to vector<16xi32>
      %add3A_482 = arith.addi %add3A_436, %add3A_481 : vector<16xi32>
      %mul3A_483 = arith.constant 16 : i32
      %mul3A_484 = arith.muli %scan3A_423, %mul3A_483 : i32
      %add3A_485 = arith.constant 512 : i32
      %add3A_486 = arith.addi %add3A_485, %mul3A_484 : i32
      %swap3A_487 = arith.constant 0 : i32
      %swap3A_488 = arith.index_cast %swap3A_487 : i32 to index
      %swap3A_489 = arith.index_cast %add3A_486 : i32 to index
      %swap3A_490 = tpu.vector_load %arg8[%swap3A_488, %swap3A_489] {strides = array<i32>} : memref<4x2048xi32, #tpu.memory_space<vmem>>, vector<16xi32>,
      tpu.vector_store %arg8[%swap3A_488, %swap3A_489], %add3A_482 {strides = array<i32>} : memref<4x2048xi32, #tpu.memory_space<vmem>>, vector<16xi32>,
      %add3A_491 = arith.constant 640 : i32
      %add3A_492 = vector.broadcast %add3A_491 : i32 to vector<16xi32>
      %add3A_493 = arith.addi %add3A_436, %add3A_492 : vector<16xi32>
      %mul3A_494 = arith.constant 16 : i32
      %mul3A_495 = arith.muli %scan3A_423, %mul3A_494 : i32
      %add3A_496 = arith.constant 640 : i32
      %add3A_497 = arith.addi %add3A_496, %mul3A_495 : i32
      %swap3A_498 = arith.constant 0 : i32
      %swap3A_499 = arith.index_cast %swap3A_498 : i32 to index
      %swap3A_500 = arith.index_cast %add3A_497 : i32 to index
      %swap3A_501 = tpu.vector_load %arg8[%swap3A_499, %swap3A_500] {strides = array<i32>} : memref<4x2048xi32, #tpu.memory_space<vmem>>, vector<16xi32>,
      tpu.vector_store %arg8[%swap3A_499, %swap3A_500], %add3A_493 {strides = array<i32>} : memref<4x2048xi32, #tpu.memory_space<vmem>>, vector<16xi32>,
      %add3A_502 = arith.constant 768 : i32
      %add3A_503 = vector.broadcast %add3A_502 : i32 to vector<16xi32>
      %add3A_504 = arith.addi %add3A_436, %add3A_503 : vector<16xi32>
      %mul3A_505 = arith.constant 16 : i32
      %mul3A_506 = arith.muli %scan3A_423, %mul3A_505 : i32
      %add3A_507 = arith.constant 768 : i32
      %add3A_508 = arith.addi %add3A_507, %mul3A_506 : i32
      %swap3A_509 = arith.constant 0 : i32
      %swap3A_510 = arith.index_cast %swap3A_509 : i32 to index
      %swap3A_511 = arith.index_cast %add3A_508 : i32 to index
      %swap3A_512 = tpu.vector_load %arg8[%swap3A_510, %swap3A_511] {strides = array<i32>} : memref<4x2048xi32, #tpu.memory_space<vmem>>, vector<16xi32>,
      tpu.vector_store %arg8[%swap3A_510, %swap3A_511], %add3A_504 {strides = array<i32>} : memref<4x2048xi32, #tpu.memory_space<vmem>>, vector<16xi32>,
      %add3A_513 = arith.constant 896 : i32
      %add3A_514 = vector.broadcast %add3A_513 : i32 to vector<16xi32>
      %add3A_515 = arith.addi %add3A_436, %add3A_514 : vector<16xi32>
      %mul3A_516 = arith.constant 16 : i32
      %mul3A_517 = arith.muli %scan3A_423, %mul3A_516 : i32
      %add3A_518 = arith.constant 896 : i32
      %add3A_519 = arith.addi %add3A_518, %mul3A_517 : i32
      %swap3A_520 = arith.constant 0 : i32
      %swap3A_521 = arith.index_cast %swap3A_520 : i32 to index
      %swap3A_522 = arith.index_cast %add3A_519 : i32 to index
      %swap3A_523 = tpu.vector_load %arg8[%swap3A_521, %swap3A_522] {strides = array<i32>} : memref<4x2048xi32, #tpu.memory_space<vmem>>, vector<16xi32>,
      tpu.vector_store %arg8[%swap3A_521, %swap3A_522], %add3A_515 {strides = array<i32>} : memref<4x2048xi32, #tpu.memory_space<vmem>>, vector<16xi32>,
      %add3A_524 = arith.constant 8388608 : i32
      %add3A_525 = vector.broadcast %add3A_524 : i32 to vector<16xi32>
      %add3A_526 = arith.addi %add3A_436, %add3A_525 : vector<16xi32>
      %mul3A_527 = arith.constant 16 : i32
      %mul3A_528 = arith.muli %scan3A_423, %mul3A_527 : i32
      %add3A_529 = arith.constant 1024 : i32
      %add3A_530 = arith.addi %add3A_529, %mul3A_528 : i32
      %swap3A_531 = arith.constant 0 : i32
      %swap3A_532 = arith.index_cast %swap3A_531 : i32 to index
      %swap3A_533 = arith.index_cast %add3A_530 : i32 to index
      %swap3A_534 = tpu.vector_load %arg8[%swap3A_532, %swap3A_533] {strides = array<i32>} : memref<4x2048xi32, #tpu.memory_space<vmem>>, vector<16xi32>,
      tpu.vector_store %arg8[%swap3A_532, %swap3A_533], %add3A_526 {strides = array<i32>} : memref<4x2048xi32, #tpu.memory_space<vmem>>, vector<16xi32>,
      %add3A_535 = arith.constant 8388736 : i32
      %add3A_536 = vector.broadcast %add3A_535 : i32 to vector<16xi32>
      %add3A_537 = arith.addi %add3A_436, %add3A_536 : vector<16xi32>
      %mul3A_538 = arith.constant 16 : i32
      %mul3A_539 = arith.muli %scan3A_423, %mul3A_538 : i32
      %add3A_540 = arith.constant 1152 : i32
      %add3A_541 = arith.addi %add3A_540, %mul3A_539 : i32
      %swap3A_542 = arith.constant 0 : i32
      %swap3A_543 = arith.index_cast %swap3A_542 : i32 to index
      %swap3A_544 = arith.index_cast %add3A_541 : i32 to index
      %swap3A_545 = tpu.vector_load %arg8[%swap3A_543, %swap3A_544] {strides = array<i32>} : memref<4x2048xi32, #tpu.memory_space<vmem>>, vector<16xi32>,
      tpu.vector_store %arg8[%swap3A_543, %swap3A_544], %add3A_537 {strides = array<i32>} : memref<4x2048xi32, #tpu.memory_space<vmem>>, vector<16xi32>,
      %add3A_546 = arith.constant 8388864 : i32
      %add3A_547 = vector.broadcast %add3A_546 : i32 to vector<16xi32>
      %add3A_548 = arith.addi %add3A_436, %add3A_547 : vector<16xi32>
      %mul3A_549 = arith.constant 16 : i32
      %mul3A_550 = arith.muli %scan3A_423, %mul3A_549 : i32
      %add3A_551 = arith.constant 1280 : i32
      %add3A_552 = arith.addi %add3A_551, %mul3A_550 : i32
      %swap3A_553 = arith.constant 0 : i32
      %swap3A_554 = arith.index_cast %swap3A_553 : i32 to index
      %swap3A_555 = arith.index_cast %add3A_552 : i32 to index
      %swap3A_556 = tpu.vector_load %arg8[%swap3A_554, %swap3A_555] {strides = array<i32>} : memref<4x2048xi32, #tpu.memory_space<vmem>>, vector<16xi32>,
      tpu.vector_store %arg8[%swap3A_554, %swap3A_555], %add3A_548 {strides = array<i32>} : memref<4x2048xi32, #tpu.memory_space<vmem>>, vector<16xi32>,
      %add3A_557 = arith.constant 8388992 : i32
      %add3A_558 = vector.broadcast %add3A_557 : i32 to vector<16xi32>
      %add3A_559 = arith.addi %add3A_436, %add3A_558 : vector<16xi32>
      %mul3A_560 = arith.constant 16 : i32
      %mul3A_561 = arith.muli %scan3A_423, %mul3A_560 : i32
      %add3A_562 = arith.constant 1408 : i32
      %add3A_563 = arith.addi %add3A_562, %mul3A_561 : i32
      %swap3A_564 = arith.constant 0 : i32
      %swap3A_565 = arith.index_cast %swap3A_564 : i32 to index
      %swap3A_566 = arith.index_cast %add3A_563 : i32 to index
      %swap3A_567 = tpu.vector_load %arg8[%swap3A_565, %swap3A_566] {strides = array<i32>} : memref<4x2048xi32, #tpu.memory_space<vmem>>, vector<16xi32>,
      tpu.vector_store %arg8[%swap3A_565, %swap3A_566], %add3A_559 {strides = array<i32>} : memref<4x2048xi32, #tpu.memory_space<vmem>>, vector<16xi32>,
      %add3A_568 = arith.constant 8389120 : i32
      %add3A_569 = vector.broadcast %add3A_568 : i32 to vector<16xi32>
      %add3A_570 = arith.addi %add3A_436, %add3A_569 : vector<16xi32>
      %mul3A_571 = arith.constant 16 : i32
      %mul3A_572 = arith.muli %scan3A_423, %mul3A_571 : i32
      %add3A_573 = arith.constant 1536 : i32
      %add3A_574 = arith.addi %add3A_573, %mul3A_572 : i32
      %swap3A_575 = arith.constant 0 : i32
      %swap3A_576 = arith.index_cast %swap3A_575 : i32 to index
      %swap3A_577 = arith.index_cast %add3A_574 : i32 to index
      %swap3A_578 = tpu.vector_load %arg8[%swap3A_576, %swap3A_577] {strides = array<i32>} : memref<4x2048xi32, #tpu.memory_space<vmem>>, vector<16xi32>,
      tpu.vector_store %arg8[%swap3A_576, %swap3A_577], %add3A_570 {strides = array<i32>} : memref<4x2048xi32, #tpu.memory_space<vmem>>, vector<16xi32>,
      %add3A_579 = arith.constant 8389248 : i32
      %add3A_580 = vector.broadcast %add3A_579 : i32 to vector<16xi32>
      %add3A_581 = arith.addi %add3A_436, %add3A_580 : vector<16xi32>
      %mul3A_582 = arith.constant 16 : i32
      %mul3A_583 = arith.muli %scan3A_423, %mul3A_582 : i32
      %add3A_584 = arith.constant 1664 : i32
      %add3A_585 = arith.addi %add3A_584, %mul3A_583 : i32
      %swap3A_586 = arith.constant 0 : i32
      %swap3A_587 = arith.index_cast %swap3A_586 : i32 to index
      %swap3A_588 = arith.index_cast %add3A_585 : i32 to index
      %swap3A_589 = tpu.vector_load %arg8[%swap3A_587, %swap3A_588] {strides = array<i32>} : memref<4x2048xi32, #tpu.memory_space<vmem>>, vector<16xi32>,
      tpu.vector_store %arg8[%swap3A_587, %swap3A_588], %add3A_581 {strides = array<i32>} : memref<4x2048xi32, #tpu.memory_space<vmem>>, vector<16xi32>,
      %add3A_590 = arith.constant 8389376 : i32
      %add3A_591 = vector.broadcast %add3A_590 : i32 to vector<16xi32>
      %add3A_592 = arith.addi %add3A_436, %add3A_591 : vector<16xi32>
      %mul3A_593 = arith.constant 16 : i32
      %mul3A_594 = arith.muli %scan3A_423, %mul3A_593 : i32
      %add3A_595 = arith.constant 1792 : i32
      %add3A_596 = arith.addi %add3A_595, %mul3A_594 : i32
      %swap3A_597 = arith.constant 0 : i32
      %swap3A_598 = arith.index_cast %swap3A_597 : i32 to index
      %swap3A_599 = arith.index_cast %add3A_596 : i32 to index
      %swap3A_600 = tpu.vector_load %arg8[%swap3A_598, %swap3A_599] {strides = array<i32>} : memref<4x2048xi32, #tpu.memory_space<vmem>>, vector<16xi32>,
      tpu.vector_store %arg8[%swap3A_598, %swap3A_599], %add3A_592 {strides = array<i32>} : memref<4x2048xi32, #tpu.memory_space<vmem>>, vector<16xi32>,
      %add3A_601 = arith.constant 8389504 : i32
      %add3A_602 = vector.broadcast %add3A_601 : i32 to vector<16xi32>
      %add3A_603 = arith.addi %add3A_436, %add3A_602 : vector<16xi32>
      %mul3A_604 = arith.constant 16 : i32
      %mul3A_605 = arith.muli %scan3A_423, %mul3A_604 : i32
      %add3A_606 = arith.constant 1920 : i32
      %add3A_607 = arith.addi %add3A_606, %mul3A_605 : i32
      %swap3A_608 = arith.constant 0 : i32
      %swap3A_609 = arith.index_cast %swap3A_608 : i32 to index
      %swap3A_610 = arith.index_cast %add3A_607 : i32 to index
      %swap3A_611 = tpu.vector_load %arg8[%swap3A_609, %swap3A_610] {strides = array<i32>} : memref<4x2048xi32, #tpu.memory_space<vmem>>, vector<16xi32>,
      tpu.vector_store %arg8[%swap3A_609, %swap3A_610], %add3A_603 {strides = array<i32>} : memref<4x2048xi32, #tpu.memory_space<vmem>>, vector<16xi32>,
    }
    %scan3A_7 = arith.constant 8 : i32
    %dma_start3A = arith.constant 0 : i32
    %dma_start3A_8 = arith.constant 0 : i32
    %dma_start3A_9 = arith.constant 0 : i32
    %dma_start3A_10 = arith.constant 0 : i32
    %dma_start3A_11 = tpu.memref_slice %arg9[%dma_start3A_8, %dma_start3A_10] : memref<4x2048xf32, #tpu.memory_space<vmem>> -> memref<1x2048xf32, #tpu.memory_space<vmem>>
    %dma_start3A_12 = tpu.memref_squeeze %dma_start3A_11 : memref<1x2048xf32, #tpu.memory_space<vmem>> -> memref<2048xf32, #tpu.memory_space<vmem>>
    %dma_start3A_13 = arith.constant 0 : i32
    %dma_start3A_14 = tpu.memref_slice %arg8[%dma_start3A, %dma_start3A_13] : memref<4x2048xi32, #tpu.memory_space<vmem>> -> memref<1x2048xi32, #tpu.memory_space<vmem>>
    %dma_start3A_15 = tpu.memref_squeeze %dma_start3A_14 : memref<1x2048xi32, #tpu.memory_space<vmem>> -> memref<2048xi32, #tpu.memory_space<vmem>>
    %dma_start3A_16 = arith.constant 0 : i32
    %dma_start3A_17 = tpu.memref_slice %arg4[%dma_start3A_16] : memref<16777216xf32, #tpu.memory_space<hbm>> -> memref<16777216xf32, #tpu.memory_space<hbm>>
    %dma_start3A_18 = tpu.memref_slice %arg10[%dma_start3A_9] : memref<4x!tpu.dma_semaphore, #tpu.memory_space<semaphore_mem>> -> memref<1x!tpu.dma_semaphore, #tpu.memory_space<semaphore_mem>>
    %dma_start3A_19 = tpu.memref_squeeze %dma_start3A_18 : memref<1x!tpu.dma_semaphore, #tpu.memory_space<semaphore_mem>> -> memref<!tpu.dma_semaphore, #tpu.memory_space<semaphore_mem>>
    tpu.enqueue_indirect_dma source(%dma_start3A_17 : memref<16777216xf32, #tpu.memory_space<hbm>>) target(%dma_start3A_12 : memref<2048xf32, #tpu.memory_space<vmem>>) offsets(%dma_start3A_15 : memref<2048xi32, #tpu.memory_space<vmem>>) semaphore(%dma_start3A_19 : memref<!tpu.dma_semaphore, #tpu.memory_space<semaphore_mem>>)
    %scan3A_20 = arith.constant 0 : i32
    %scan3A_21 = arith.constant 0 : i32
    %scan3A_22 = arith.constant 8 : i32
    %scan3A_23 = arith.addi %scan3A_21, %scan3A_22 : i32
    %scan3A_24 = arith.constant 1 : i32
    scf.for %scan3A_423 = %scan3A_21 to %scan3A_23 step %scan3A_24  : i32 {
      %mul3A_424 = arith.constant 16 : i32
      %mul3A_425 = arith.muli %scan3A_423, %mul3A_424 : i32
      %add3A_426 = arith.constant 128 : i32
      %add3A_427 = arith.addi %add3A_426, %mul3A_425 : i32
      %get3A_428 = arith.index_cast %add3A_427 : i32 to index
      %get3A_429 = tpu.vector_load %arg6[%get3A_428] {strides = array<i32>} : memref<512xi32, #tpu.memory_space<vmem>>, vector<16xi32>,
      %shift_right_arithmetic3A = arith.constant 7 : i32
      %shift_right_arithmetic3A_430 = vector.broadcast %shift_right_arithmetic3A : i32 to vector<16xi32>
      %shift_right_arithmetic3A_431 = arith.shrsi %get3A_429, %shift_right_arithmetic3A_430 : vector<16xi32>
      %shift_left3A = arith.constant 10 : i32
      %shift_left3A_432 = vector.broadcast %shift_left3A : i32 to vector<16xi32>
      %shift_left3A_433 = arith.shli %shift_right_arithmetic3A_431, %shift_left3A_432 : vector<16xi32>
      %and3A = arith.constant 127 : i32
      %and3A_434 = vector.broadcast %and3A : i32 to vector<16xi32>
      %and3A_435 = arith.andi %get3A_429, %and3A_434 : vector<16xi32>
      %add3A_436 = arith.addi %shift_left3A_433, %and3A_435 : vector<16xi32>
      %add3A_437 = arith.constant 0 : i32
      %add3A_438 = vector.broadcast %add3A_437 : i32 to vector<16xi32>
      %add3A_439 = arith.addi %add3A_436, %add3A_438 : vector<16xi32>
      %mul3A_440 = arith.constant 16 : i32
      %mul3A_441 = arith.muli %scan3A_423, %mul3A_440 : i32
      %add3A_442 = arith.constant 0 : i32
      %add3A_443 = arith.addi %add3A_442, %mul3A_441 : i32
      %swap3A = arith.constant 1 : i32
      %swap3A_444 = arith.index_cast %swap3A : i32 to index
      %swap3A_445 = arith.index_cast %add3A_443 : i32 to index
      %swap3A_446 = tpu.vector_load %arg8[%swap3A_444, %swap3A_445] {strides = array<i32>} : memref<4x2048xi32, #tpu.memory_space<vmem>>, vector<16xi32>,
      tpu.vector_store %arg8[%swap3A_444, %swap3A_445], %add3A_439 {strides = array<i32>} : memref<4x2048xi32, #tpu.memory_space<vmem>>, vector<16xi32>,
      %add3A_447 = arith.constant 128 : i32
      %add3A_448 = vector.broadcast %add3A_447 : i32 to vector<16xi32>
      %add3A_449 = arith.addi %add3A_436, %add3A_448 : vector<16xi32>
      %mul3A_450 = arith.constant 16 : i32
      %mul3A_451 = arith.muli %scan3A_423, %mul3A_450 : i32
      %add3A_452 = arith.constant 128 : i32
      %add3A_453 = arith.addi %add3A_452, %mul3A_451 : i32
      %swap3A_454 = arith.constant 1 : i32
      %swap3A_455 = arith.index_cast %swap3A_454 : i32 to index
      %swap3A_456 = arith.index_cast %add3A_453 : i32 to index
      %swap3A_457 = tpu.vector_load %arg8[%swap3A_455, %swap3A_456] {strides = array<i32>} : memref<4x2048xi32, #tpu.memory_space<vmem>>, vector<16xi32>,
      tpu.vector_store %arg8[%swap3A_455, %swap3A_456], %add3A_449 {strides = array<i32>} : memref<4x2048xi32, #tpu.memory_space<vmem>>, vector<16xi32>,
      %add3A_458 = arith.constant 256 : i32
      %add3A_459 = vector.broadcast %add3A_458 : i32 to vector<16xi32>
      %add3A_460 = arith.addi %add3A_436, %add3A_459 : vector<16xi32>
      %mul3A_461 = arith.constant 16 : i32
      %mul3A_462 = arith.muli %scan3A_423, %mul3A_461 : i32
      %add3A_463 = arith.constant 256 : i32
      %add3A_464 = arith.addi %add3A_463, %mul3A_462 : i32
      %swap3A_465 = arith.constant 1 : i32
      %swap3A_466 = arith.index_cast %swap3A_465 : i32 to index
      %swap3A_467 = arith.index_cast %add3A_464 : i32 to index
      %swap3A_468 = tpu.vector_load %arg8[%swap3A_466, %swap3A_467] {strides = array<i32>} : memref<4x2048xi32, #tpu.memory_space<vmem>>, vector<16xi32>,
      tpu.vector_store %arg8[%swap3A_466, %swap3A_467], %add3A_460 {strides = array<i32>} : memref<4x2048xi32, #tpu.memory_space<vmem>>, vector<16xi32>,
      %add3A_469 = arith.constant 384 : i32
      %add3A_470 = vector.broadcast %add3A_469 : i32 to vector<16xi32>
      %add3A_471 = arith.addi %add3A_436, %add3A_470 : vector<16xi32>
      %mul3A_472 = arith.constant 16 : i32
      %mul3A_473 = arith.muli %scan3A_423, %mul3A_472 : i32
      %add3A_474 = arith.constant 384 : i32
      %add3A_475 = arith.addi %add3A_474, %mul3A_473 : i32
      %swap3A_476 = arith.constant 1 : i32
      %swap3A_477 = arith.index_cast %swap3A_476 : i32 to index
      %swap3A_478 = arith.index_cast %add3A_475 : i32 to index
      %swap3A_479 = tpu.vector_load %arg8[%swap3A_477, %swap3A_478] {strides = array<i32>} : memref<4x2048xi32, #tpu.memory_space<vmem>>, vector<16xi32>,
      tpu.vector_store %arg8[%swap3A_477, %swap3A_478], %add3A_471 {strides = array<i32>} : memref<4x2048xi32, #tpu.memory_space<vmem>>, vector<16xi32>,
      %add3A_480 = arith.constant 512 : i32
      %add3A_481 = vector.broadcast %add3A_480 : i32 to vector<16xi32>
      %add3A_482 = arith.addi %add3A_436, %add3A_481 : vector<16xi32>
      %mul3A_483 = arith.constant 16 : i32
      %mul3A_484 = arith.muli %scan3A_423, %mul3A_483 : i32
      %add3A_485 = arith.constant 512 : i32
      %add3A_486 = arith.addi %add3A_485, %mul3A_484 : i32
      %swap3A_487 = arith.constant 1 : i32
      %swap3A_488 = arith.index_cast %swap3A_487 : i32 to index
      %swap3A_489 = arith.index_cast %add3A_486 : i32 to index
      %swap3A_490 = tpu.vector_load %arg8[%swap3A_488, %swap3A_489] {strides = array<i32>} : memref<4x2048xi32, #tpu.memory_space<vmem>>, vector<16xi32>,
      tpu.vector_store %arg8[%swap3A_488, %swap3A_489], %add3A_482 {strides = array<i32>} : memref<4x2048xi32, #tpu.memory_space<vmem>>, vector<16xi32>,
      %add3A_491 = arith.constant 640 : i32
      %add3A_492 = vector.broadcast %add3A_491 : i32 to vector<16xi32>
      %add3A_493 = arith.addi %add3A_436, %add3A_492 : vector<16xi32>
      %mul3A_494 = arith.constant 16 : i32
      %mul3A_495 = arith.muli %scan3A_423, %mul3A_494 : i32
      %add3A_496 = arith.constant 640 : i32
      %add3A_497 = arith.addi %add3A_496, %mul3A_495 : i32
      %swap3A_498 = arith.constant 1 : i32
      %swap3A_499 = arith.index_cast %swap3A_498 : i32 to index
      %swap3A_500 = arith.index_cast %add3A_497 : i32 to index
      %swap3A_501 = tpu.vector_load %arg8[%swap3A_499, %swap3A_500] {strides = array<i32>} : memref<4x2048xi32, #tpu.memory_space<vmem>>, vector<16xi32>,
      tpu.vector_store %arg8[%swap3A_499, %swap3A_500], %add3A_493 {strides = array<i32>} : memref<4x2048xi32, #tpu.memory_space<vmem>>, vector<16xi32>,
      %add3A_502 = arith.constant 768 : i32
      %add3A_503 = vector.broadcast %add3A_502 : i32 to vector<16xi32>
      %add3A_504 = arith.addi %add3A_436, %add3A_503 : vector<16xi32>
      %mul3A_505 = arith.constant 16 : i32
      %mul3A_506 = arith.muli %scan3A_423, %mul3A_505 : i32
      %add3A_507 = arith.constant 768 : i32
      %add3A_508 = arith.addi %add3A_507, %mul3A_506 : i32
      %swap3A_509 = arith.constant 1 : i32
      %swap3A_510 = arith.index_cast %swap3A_509 : i32 to index
      %swap3A_511 = arith.index_cast %add3A_508 : i32 to index
      %swap3A_512 = tpu.vector_load %arg8[%swap3A_510, %swap3A_511] {strides = array<i32>} : memref<4x2048xi32, #tpu.memory_space<vmem>>, vector<16xi32>,
      tpu.vector_store %arg8[%swap3A_510, %swap3A_511], %add3A_504 {strides = array<i32>} : memref<4x2048xi32, #tpu.memory_space<vmem>>, vector<16xi32>,
      %add3A_513 = arith.constant 896 : i32
      %add3A_514 = vector.broadcast %add3A_513 : i32 to vector<16xi32>
      %add3A_515 = arith.addi %add3A_436, %add3A_514 : vector<16xi32>
      %mul3A_516 = arith.constant 16 : i32
      %mul3A_517 = arith.muli %scan3A_423, %mul3A_516 : i32
      %add3A_518 = arith.constant 896 : i32
      %add3A_519 = arith.addi %add3A_518, %mul3A_517 : i32
      %swap3A_520 = arith.constant 1 : i32
      %swap3A_521 = arith.index_cast %swap3A_520 : i32 to index
      %swap3A_522 = arith.index_cast %add3A_519 : i32 to index
      %swap3A_523 = tpu.vector_load %arg8[%swap3A_521, %swap3A_522] {strides = array<i32>} : memref<4x2048xi32, #tpu.memory_space<vmem>>, vector<16xi32>,
      tpu.vector_store %arg8[%swap3A_521, %swap3A_522], %add3A_515 {strides = array<i32>} : memref<4x2048xi32, #tpu.memory_space<vmem>>, vector<16xi32>,
      %add3A_524 = arith.constant 8388608 : i32
      %add3A_525 = vector.broadcast %add3A_524 : i32 to vector<16xi32>
      %add3A_526 = arith.addi %add3A_436, %add3A_525 : vector<16xi32>
      %mul3A_527 = arith.constant 16 : i32
      %mul3A_528 = arith.muli %scan3A_423, %mul3A_527 : i32
      %add3A_529 = arith.constant 1024 : i32
      %add3A_530 = arith.addi %add3A_529, %mul3A_528 : i32
      %swap3A_531 = arith.constant 1 : i32
      %swap3A_532 = arith.index_cast %swap3A_531 : i32 to index
      %swap3A_533 = arith.index_cast %add3A_530 : i32 to index
      %swap3A_534 = tpu.vector_load %arg8[%swap3A_532, %swap3A_533] {strides = array<i32>} : memref<4x2048xi32, #tpu.memory_space<vmem>>, vector<16xi32>,
      tpu.vector_store %arg8[%swap3A_532, %swap3A_533], %add3A_526 {strides = array<i32>} : memref<4x2048xi32, #tpu.memory_space<vmem>>, vector<16xi32>,
      %add3A_535 = arith.constant 8388736 : i32
      %add3A_536 = vector.broadcast %add3A_535 : i32 to vector<16xi32>
      %add3A_537 = arith.addi %add3A_436, %add3A_536 : vector<16xi32>
      %mul3A_538 = arith.constant 16 : i32
      %mul3A_539 = arith.muli %scan3A_423, %mul3A_538 : i32
      %add3A_540 = arith.constant 1152 : i32
      %add3A_541 = arith.addi %add3A_540, %mul3A_539 : i32
      %swap3A_542 = arith.constant 1 : i32
      %swap3A_543 = arith.index_cast %swap3A_542 : i32 to index
      %swap3A_544 = arith.index_cast %add3A_541 : i32 to index
      %swap3A_545 = tpu.vector_load %arg8[%swap3A_543, %swap3A_544] {strides = array<i32>} : memref<4x2048xi32, #tpu.memory_space<vmem>>, vector<16xi32>,
      tpu.vector_store %arg8[%swap3A_543, %swap3A_544], %add3A_537 {strides = array<i32>} : memref<4x2048xi32, #tpu.memory_space<vmem>>, vector<16xi32>,
      %add3A_546 = arith.constant 8388864 : i32
      %add3A_547 = vector.broadcast %add3A_546 : i32 to vector<16xi32>
      %add3A_548 = arith.addi %add3A_436, %add3A_547 : vector<16xi32>
      %mul3A_549 = arith.constant 16 : i32
      %mul3A_550 = arith.muli %scan3A_423, %mul3A_549 : i32
      %add3A_551 = arith.constant 1280 : i32
      %add3A_552 = arith.addi %add3A_551, %mul3A_550 : i32
      %swap3A_553 = arith.constant 1 : i32
      %swap3A_554 = arith.index_cast %swap3A_553 : i32 to index
      %swap3A_555 = arith.index_cast %add3A_552 : i32 to index
      %swap3A_556 = tpu.vector_load %arg8[%swap3A_554, %swap3A_555] {strides = array<i32>} : memref<4x2048xi32, #tpu.memory_space<vmem>>, vector<16xi32>,
      tpu.vector_store %arg8[%swap3A_554, %swap3A_555], %add3A_548 {strides = array<i32>} : memref<4x2048xi32, #tpu.memory_space<vmem>>, vector<16xi32>,
      %add3A_557 = arith.constant 8388992 : i32
      %add3A_558 = vector.broadcast %add3A_557 : i32 to vector<16xi32>
      %add3A_559 = arith.addi %add3A_436, %add3A_558 : vector<16xi32>
      %mul3A_560 = arith.constant 16 : i32
      %mul3A_561 = arith.muli %scan3A_423, %mul3A_560 : i32
      %add3A_562 = arith.constant 1408 : i32
      %add3A_563 = arith.addi %add3A_562, %mul3A_561 : i32
      %swap3A_564 = arith.constant 1 : i32
      %swap3A_565 = arith.index_cast %swap3A_564 : i32 to index
      %swap3A_566 = arith.index_cast %add3A_563 : i32 to index
      %swap3A_567 = tpu.vector_load %arg8[%swap3A_565, %swap3A_566] {strides = array<i32>} : memref<4x2048xi32, #tpu.memory_space<vmem>>, vector<16xi32>,
      tpu.vector_store %arg8[%swap3A_565, %swap3A_566], %add3A_559 {strides = array<i32>} : memref<4x2048xi32, #tpu.memory_space<vmem>>, vector<16xi32>,
      %add3A_568 = arith.constant 8389120 : i32
      %add3A_569 = vector.broadcast %add3A_568 : i32 to vector<16xi32>
      %add3A_570 = arith.addi %add3A_436, %add3A_569 : vector<16xi32>
      %mul3A_571 = arith.constant 16 : i32
      %mul3A_572 = arith.muli %scan3A_423, %mul3A_571 : i32
      %add3A_573 = arith.constant 1536 : i32
      %add3A_574 = arith.addi %add3A_573, %mul3A_572 : i32
      %swap3A_575 = arith.constant 1 : i32
      %swap3A_576 = arith.index_cast %swap3A_575 : i32 to index
      %swap3A_577 = arith.index_cast %add3A_574 : i32 to index
      %swap3A_578 = tpu.vector_load %arg8[%swap3A_576, %swap3A_577] {strides = array<i32>} : memref<4x2048xi32, #tpu.memory_space<vmem>>, vector<16xi32>,
      tpu.vector_store %arg8[%swap3A_576, %swap3A_577], %add3A_570 {strides = array<i32>} : memref<4x2048xi32, #tpu.memory_space<vmem>>, vector<16xi32>,
      %add3A_579 = arith.constant 8389248 : i32
      %add3A_580 = vector.broadcast %add3A_579 : i32 to vector<16xi32>
      %add3A_581 = arith.addi %add3A_436, %add3A_580 : vector<16xi32>
      %mul3A_582 = arith.constant 16 : i32
      %mul3A_583 = arith.muli %scan3A_423, %mul3A_582 : i32
      %add3A_584 = arith.constant 1664 : i32
      %add3A_585 = arith.addi %add3A_584, %mul3A_583 : i32
      %swap3A_586 = arith.constant 1 : i32
      %swap3A_587 = arith.index_cast %swap3A_586 : i32 to index
      %swap3A_588 = arith.index_cast %add3A_585 : i32 to index
      %swap3A_589 = tpu.vector_load %arg8[%swap3A_587, %swap3A_588] {strides = array<i32>} : memref<4x2048xi32, #tpu.memory_space<vmem>>, vector<16xi32>,
      tpu.vector_store %arg8[%swap3A_587, %swap3A_588], %add3A_581 {strides = array<i32>} : memref<4x2048xi32, #tpu.memory_space<vmem>>, vector<16xi32>,
      %add3A_590 = arith.constant 8389376 : i32
      %add3A_591 = vector.broadcast %add3A_590 : i32 to vector<16xi32>
      %add3A_592 = arith.addi %add3A_436, %add3A_591 : vector<16xi32>
      %mul3A_593 = arith.constant 16 : i32
      %mul3A_594 = arith.muli %scan3A_423, %mul3A_593 : i32
      %add3A_595 = arith.constant 1792 : i32
      %add3A_596 = arith.addi %add3A_595, %mul3A_594 : i32
      %swap3A_597 = arith.constant 1 : i32
      %swap3A_598 = arith.index_cast %swap3A_597 : i32 to index
      %swap3A_599 = arith.index_cast %add3A_596 : i32 to index
      %swap3A_600 = tpu.vector_load %arg8[%swap3A_598, %swap3A_599] {strides = array<i32>} : memref<4x2048xi32, #tpu.memory_space<vmem>>, vector<16xi32>,
      tpu.vector_store %arg8[%swap3A_598, %swap3A_599], %add3A_592 {strides = array<i32>} : memref<4x2048xi32, #tpu.memory_space<vmem>>, vector<16xi32>,
      %add3A_601 = arith.constant 8389504 : i32
      %add3A_602 = vector.broadcast %add3A_601 : i32 to vector<16xi32>
      %add3A_603 = arith.addi %add3A_436, %add3A_602 : vector<16xi32>
      %mul3A_604 = arith.constant 16 : i32
      %mul3A_605 = arith.muli %scan3A_423, %mul3A_604 : i32
      %add3A_606 = arith.constant 1920 : i32
      %add3A_607 = arith.addi %add3A_606, %mul3A_605 : i32
      %swap3A_608 = arith.constant 1 : i32
      %swap3A_609 = arith.index_cast %swap3A_608 : i32 to index
      %swap3A_610 = arith.index_cast %add3A_607 : i32 to index
      %swap3A_611 = tpu.vector_load %arg8[%swap3A_609, %swap3A_610] {strides = array<i32>} : memref<4x2048xi32, #tpu.memory_space<vmem>>, vector<16xi32>,
      tpu.vector_store %arg8[%swap3A_609, %swap3A_610], %add3A_603 {strides = array<i32>} : memref<4x2048xi32, #tpu.memory_space<vmem>>, vector<16xi32>,
    }
    %scan3A_25 = arith.constant 8 : i32
    %dma_start3A_26 = arith.constant 1 : i32
    %dma_start3A_27 = arith.constant 1 : i32
    %dma_start3A_28 = arith.constant 1 : i32
    %dma_start3A_29 = arith.constant 0 : i32
    %dma_start3A_30 = tpu.memref_slice %arg9[%dma_start3A_27, %dma_start3A_29] : memref<4x2048xf32, #tpu.memory_space<vmem>> -> memref<1x2048xf32, #tpu.memory_space<vmem>>
    %dma_start3A_31 = tpu.memref_squeeze %dma_start3A_30 : memref<1x2048xf32, #tpu.memory_space<vmem>> -> memref<2048xf32, #tpu.memory_space<vmem>>
    %dma_start3A_32 = arith.constant 0 : i32
    %dma_start3A_33 = tpu.memref_slice %arg8[%dma_start3A_26, %dma_start3A_32] : memref<4x2048xi32, #tpu.memory_space<vmem>> -> memref<1x2048xi32, #tpu.memory_space<vmem>>
    %dma_start3A_34 = tpu.memref_squeeze %dma_start3A_33 : memref<1x2048xi32, #tpu.memory_space<vmem>> -> memref<2048xi32, #tpu.memory_space<vmem>>
    %dma_start3A_35 = arith.constant 0 : i32
    %dma_start3A_36 = tpu.memref_slice %arg4[%dma_start3A_35] : memref<16777216xf32, #tpu.memory_space<hbm>> -> memref<16777216xf32, #tpu.memory_space<hbm>>
    %dma_start3A_37 = tpu.memref_slice %arg10[%dma_start3A_28] : memref<4x!tpu.dma_semaphore, #tpu.memory_space<semaphore_mem>> -> memref<1x!tpu.dma_semaphore, #tpu.memory_space<semaphore_mem>>
    %dma_start3A_38 = tpu.memref_squeeze %dma_start3A_37 : memref<1x!tpu.dma_semaphore, #tpu.memory_space<semaphore_mem>> -> memref<!tpu.dma_semaphore, #tpu.memory_space<semaphore_mem>>
    tpu.enqueue_indirect_dma source(%dma_start3A_36 : memref<16777216xf32, #tpu.memory_space<hbm>>) target(%dma_start3A_31 : memref<2048xf32, #tpu.memory_space<vmem>>) offsets(%dma_start3A_34 : memref<2048xi32, #tpu.memory_space<vmem>>) semaphore(%dma_start3A_38 : memref<!tpu.dma_semaphore, #tpu.memory_space<semaphore_mem>>)
    %scan3A_39 = arith.constant 0 : i32
    %scan3A_40 = arith.constant 0 : i32
    %scan3A_41 = arith.constant 8 : i32
    %scan3A_42 = arith.addi %scan3A_40, %scan3A_41 : i32
    %scan3A_43 = arith.constant 1 : i32
    scf.for %scan3A_423 = %scan3A_40 to %scan3A_42 step %scan3A_43  : i32 {
      %mul3A_424 = arith.constant 16 : i32
      %mul3A_425 = arith.muli %scan3A_423, %mul3A_424 : i32
      %add3A_426 = arith.constant 256 : i32
      %add3A_427 = arith.addi %add3A_426, %mul3A_425 : i32
      %get3A_428 = arith.index_cast %add3A_427 : i32 to index
      %get3A_429 = tpu.vector_load %arg6[%get3A_428] {strides = array<i32>} : memref<512xi32, #tpu.memory_space<vmem>>, vector<16xi32>,
      %shift_right_arithmetic3A = arith.constant 7 : i32
      %shift_right_arithmetic3A_430 = vector.broadcast %shift_right_arithmetic3A : i32 to vector<16xi32>
      %shift_right_arithmetic3A_431 = arith.shrsi %get3A_429, %shift_right_arithmetic3A_430 : vector<16xi32>
      %shift_left3A = arith.constant 10 : i32
      %shift_left3A_432 = vector.broadcast %shift_left3A : i32 to vector<16xi32>
      %shift_left3A_433 = arith.shli %shift_right_arithmetic3A_431, %shift_left3A_432 : vector<16xi32>
      %and3A = arith.constant 127 : i32
      %and3A_434 = vector.broadcast %and3A : i32 to vector<16xi32>
      %and3A_435 = arith.andi %get3A_429, %and3A_434 : vector<16xi32>
      %add3A_436 = arith.addi %shift_left3A_433, %and3A_435 : vector<16xi32>
      %add3A_437 = arith.constant 0 : i32
      %add3A_438 = vector.broadcast %add3A_437 : i32 to vector<16xi32>
      %add3A_439 = arith.addi %add3A_436, %add3A_438 : vector<16xi32>
      %mul3A_440 = arith.constant 16 : i32
      %mul3A_441 = arith.muli %scan3A_423, %mul3A_440 : i32
      %add3A_442 = arith.constant 0 : i32
      %add3A_443 = arith.addi %add3A_442, %mul3A_441 : i32
      %swap3A = arith.constant 2 : i32
      %swap3A_444 = arith.index_cast %swap3A : i32 to index
      %swap3A_445 = arith.index_cast %add3A_443 : i32 to index
      %swap3A_446 = tpu.vector_load %arg8[%swap3A_444, %swap3A_445] {strides = array<i32>} : memref<4x2048xi32, #tpu.memory_space<vmem>>, vector<16xi32>,
      tpu.vector_store %arg8[%swap3A_444, %swap3A_445], %add3A_439 {strides = array<i32>} : memref<4x2048xi32, #tpu.memory_space<vmem>>, vector<16xi32>,
      %add3A_447 = arith.constant 128 : i32
      %add3A_448 = vector.broadcast %add3A_447 : i32 to vector<16xi32>
      %add3A_449 = arith.addi %add3A_436, %add3A_448 : vector<16xi32>
      %mul3A_450 = arith.constant 16 : i32
      %mul3A_451 = arith.muli %scan3A_423, %mul3A_450 : i32
      %add3A_452 = arith.constant 128 : i32
      %add3A_453 = arith.addi %add3A_452, %mul3A_451 : i32
      %swap3A_454 = arith.constant 2 : i32
      %swap3A_455 = arith.index_cast %swap3A_454 : i32 to index
      %swap3A_456 = arith.index_cast %add3A_453 : i32 to index
      %swap3A_457 = tpu.vector_load %arg8[%swap3A_455, %swap3A_456] {strides = array<i32>} : memref<4x2048xi32, #tpu.memory_space<vmem>>, vector<16xi32>,
      tpu.vector_store %arg8[%swap3A_455, %swap3A_456], %add3A_449 {strides = array<i32>} : memref<4x2048xi32, #tpu.memory_space<vmem>>, vector<16xi32>,
      %add3A_458 = arith.constant 256 : i32
      %add3A_459 = vector.broadcast %add3A_458 : i32 to vector<16xi32>
      %add3A_460 = arith.addi %add3A_436, %add3A_459 : vector<16xi32>
      %mul3A_461 = arith.constant 16 : i32
      %mul3A_462 = arith.muli %scan3A_423, %mul3A_461 : i32
      %add3A_463 = arith.constant 256 : i32
      %add3A_464 = arith.addi %add3A_463, %mul3A_462 : i32
      %swap3A_465 = arith.constant 2 : i32
      %swap3A_466 = arith.index_cast %swap3A_465 : i32 to index
      %swap3A_467 = arith.index_cast %add3A_464 : i32 to index
      %swap3A_468 = tpu.vector_load %arg8[%swap3A_466, %swap3A_467] {strides = array<i32>} : memref<4x2048xi32, #tpu.memory_space<vmem>>, vector<16xi32>,
      tpu.vector_store %arg8[%swap3A_466, %swap3A_467], %add3A_460 {strides = array<i32>} : memref<4x2048xi32, #tpu.memory_space<vmem>>, vector<16xi32>,
      %add3A_469 = arith.constant 384 : i32
      %add3A_470 = vector.broadcast %add3A_469 : i32 to vector<16xi32>
      %add3A_471 = arith.addi %add3A_436, %add3A_470 : vector<16xi32>
      %mul3A_472 = arith.constant 16 : i32
      %mul3A_473 = arith.muli %scan3A_423, %mul3A_472 : i32
      %add3A_474 = arith.constant 384 : i32
      %add3A_475 = arith.addi %add3A_474, %mul3A_473 : i32
      %swap3A_476 = arith.constant 2 : i32
      %swap3A_477 = arith.index_cast %swap3A_476 : i32 to index
      %swap3A_478 = arith.index_cast %add3A_475 : i32 to index
      %swap3A_479 = tpu.vector_load %arg8[%swap3A_477, %swap3A_478] {strides = array<i32>} : memref<4x2048xi32, #tpu.memory_space<vmem>>, vector<16xi32>,
      tpu.vector_store %arg8[%swap3A_477, %swap3A_478], %add3A_471 {strides = array<i32>} : memref<4x2048xi32, #tpu.memory_space<vmem>>, vector<16xi32>,
      %add3A_480 = arith.constant 512 : i32
      %add3A_481 = vector.broadcast %add3A_480 : i32 to vector<16xi32>
      %add3A_482 = arith.addi %add3A_436, %add3A_481 : vector<16xi32>
      %mul3A_483 = arith.constant 16 : i32
      %mul3A_484 = arith.muli %scan3A_423, %mul3A_483 : i32
      %add3A_485 = arith.constant 512 : i32
      %add3A_486 = arith.addi %add3A_485, %mul3A_484 : i32
      %swap3A_487 = arith.constant 2 : i32
      %swap3A_488 = arith.index_cast %swap3A_487 : i32 to index
      %swap3A_489 = arith.index_cast %add3A_486 : i32 to index
      %swap3A_490 = tpu.vector_load %arg8[%swap3A_488, %swap3A_489] {strides = array<i32>} : memref<4x2048xi32, #tpu.memory_space<vmem>>, vector<16xi32>,
      tpu.vector_store %arg8[%swap3A_488, %swap3A_489], %add3A_482 {strides = array<i32>} : memref<4x2048xi32, #tpu.memory_space<vmem>>, vector<16xi32>,
      %add3A_491 = arith.constant 640 : i32
      %add3A_492 = vector.broadcast %add3A_491 : i32 to vector<16xi32>
      %add3A_493 = arith.addi %add3A_436, %add3A_492 : vector<16xi32>
      %mul3A_494 = arith.constant 16 : i32
      %mul3A_495 = arith.muli %scan3A_423, %mul3A_494 : i32
      %add3A_496 = arith.constant 640 : i32
      %add3A_497 = arith.addi %add3A_496, %mul3A_495 : i32
      %swap3A_498 = arith.constant 2 : i32
      %swap3A_499 = arith.index_cast %swap3A_498 : i32 to index
      %swap3A_500 = arith.index_cast %add3A_497 : i32 to index
      %swap3A_501 = tpu.vector_load %arg8[%swap3A_499, %swap3A_500] {strides = array<i32>} : memref<4x2048xi32, #tpu.memory_space<vmem>>, vector<16xi32>,
      tpu.vector_store %arg8[%swap3A_499, %swap3A_500], %add3A_493 {strides = array<i32>} : memref<4x2048xi32, #tpu.memory_space<vmem>>, vector<16xi32>,
      %add3A_502 = arith.constant 768 : i32
      %add3A_503 = vector.broadcast %add3A_502 : i32 to vector<16xi32>
      %add3A_504 = arith.addi %add3A_436, %add3A_503 : vector<16xi32>
      %mul3A_505 = arith.constant 16 : i32
      %mul3A_506 = arith.muli %scan3A_423, %mul3A_505 : i32
      %add3A_507 = arith.constant 768 : i32
      %add3A_508 = arith.addi %add3A_507, %mul3A_506 : i32
      %swap3A_509 = arith.constant 2 : i32
      %swap3A_510 = arith.index_cast %swap3A_509 : i32 to index
      %swap3A_511 = arith.index_cast %add3A_508 : i32 to index
      %swap3A_512 = tpu.vector_load %arg8[%swap3A_510, %swap3A_511] {strides = array<i32>} : memref<4x2048xi32, #tpu.memory_space<vmem>>, vector<16xi32>,
      tpu.vector_store %arg8[%swap3A_510, %swap3A_511], %add3A_504 {strides = array<i32>} : memref<4x2048xi32, #tpu.memory_space<vmem>>, vector<16xi32>,
      %add3A_513 = arith.constant 896 : i32
      %add3A_514 = vector.broadcast %add3A_513 : i32 to vector<16xi32>
      %add3A_515 = arith.addi %add3A_436, %add3A_514 : vector<16xi32>
      %mul3A_516 = arith.constant 16 : i32
      %mul3A_517 = arith.muli %scan3A_423, %mul3A_516 : i32
      %add3A_518 = arith.constant 896 : i32
      %add3A_519 = arith.addi %add3A_518, %mul3A_517 : i32
      %swap3A_520 = arith.constant 2 : i32
      %swap3A_521 = arith.index_cast %swap3A_520 : i32 to index
      %swap3A_522 = arith.index_cast %add3A_519 : i32 to index
      %swap3A_523 = tpu.vector_load %arg8[%swap3A_521, %swap3A_522] {strides = array<i32>} : memref<4x2048xi32, #tpu.memory_space<vmem>>, vector<16xi32>,
      tpu.vector_store %arg8[%swap3A_521, %swap3A_522], %add3A_515 {strides = array<i32>} : memref<4x2048xi32, #tpu.memory_space<vmem>>, vector<16xi32>,
      %add3A_524 = arith.constant 8388608 : i32
      %add3A_525 = vector.broadcast %add3A_524 : i32 to vector<16xi32>
      %add3A_526 = arith.addi %add3A_436, %add3A_525 : vector<16xi32>
      %mul3A_527 = arith.constant 16 : i32
      %mul3A_528 = arith.muli %scan3A_423, %mul3A_527 : i32
      %add3A_529 = arith.constant 1024 : i32
      %add3A_530 = arith.addi %add3A_529, %mul3A_528 : i32
      %swap3A_531 = arith.constant 2 : i32
      %swap3A_532 = arith.index_cast %swap3A_531 : i32 to index
      %swap3A_533 = arith.index_cast %add3A_530 : i32 to index
      %swap3A_534 = tpu.vector_load %arg8[%swap3A_532, %swap3A_533] {strides = array<i32>} : memref<4x2048xi32, #tpu.memory_space<vmem>>, vector<16xi32>,
      tpu.vector_store %arg8[%swap3A_532, %swap3A_533], %add3A_526 {strides = array<i32>} : memref<4x2048xi32, #tpu.memory_space<vmem>>, vector<16xi32>,
      %add3A_535 = arith.constant 8388736 : i32
      %add3A_536 = vector.broadcast %add3A_535 : i32 to vector<16xi32>
      %add3A_537 = arith.addi %add3A_436, %add3A_536 : vector<16xi32>
      %mul3A_538 = arith.constant 16 : i32
      %mul3A_539 = arith.muli %scan3A_423, %mul3A_538 : i32
      %add3A_540 = arith.constant 1152 : i32
      %add3A_541 = arith.addi %add3A_540, %mul3A_539 : i32
      %swap3A_542 = arith.constant 2 : i32
      %swap3A_543 = arith.index_cast %swap3A_542 : i32 to index
      %swap3A_544 = arith.index_cast %add3A_541 : i32 to index
      %swap3A_545 = tpu.vector_load %arg8[%swap3A_543, %swap3A_544] {strides = array<i32>} : memref<4x2048xi32, #tpu.memory_space<vmem>>, vector<16xi32>,
      tpu.vector_store %arg8[%swap3A_543, %swap3A_544], %add3A_537 {strides = array<i32>} : memref<4x2048xi32, #tpu.memory_space<vmem>>, vector<16xi32>,
      %add3A_546 = arith.constant 8388864 : i32
      %add3A_547 = vector.broadcast %add3A_546 : i32 to vector<16xi32>
      %add3A_548 = arith.addi %add3A_436, %add3A_547 : vector<16xi32>
      %mul3A_549 = arith.constant 16 : i32
      %mul3A_550 = arith.muli %scan3A_423, %mul3A_549 : i32
      %add3A_551 = arith.constant 1280 : i32
      %add3A_552 = arith.addi %add3A_551, %mul3A_550 : i32
      %swap3A_553 = arith.constant 2 : i32
      %swap3A_554 = arith.index_cast %swap3A_553 : i32 to index
      %swap3A_555 = arith.index_cast %add3A_552 : i32 to index
      %swap3A_556 = tpu.vector_load %arg8[%swap3A_554, %swap3A_555] {strides = array<i32>} : memref<4x2048xi32, #tpu.memory_space<vmem>>, vector<16xi32>,
      tpu.vector_store %arg8[%swap3A_554, %swap3A_555], %add3A_548 {strides = array<i32>} : memref<4x2048xi32, #tpu.memory_space<vmem>>, vector<16xi32>,
      %add3A_557 = arith.constant 8388992 : i32
      %add3A_558 = vector.broadcast %add3A_557 : i32 to vector<16xi32>
      %add3A_559 = arith.addi %add3A_436, %add3A_558 : vector<16xi32>
      %mul3A_560 = arith.constant 16 : i32
      %mul3A_561 = arith.muli %scan3A_423, %mul3A_560 : i32
      %add3A_562 = arith.constant 1408 : i32
      %add3A_563 = arith.addi %add3A_562, %mul3A_561 : i32
      %swap3A_564 = arith.constant 2 : i32
      %swap3A_565 = arith.index_cast %swap3A_564 : i32 to index
      %swap3A_566 = arith.index_cast %add3A_563 : i32 to index
      %swap3A_567 = tpu.vector_load %arg8[%swap3A_565, %swap3A_566] {strides = array<i32>} : memref<4x2048xi32, #tpu.memory_space<vmem>>, vector<16xi32>,
      tpu.vector_store %arg8[%swap3A_565, %swap3A_566], %add3A_559 {strides = array<i32>} : memref<4x2048xi32, #tpu.memory_space<vmem>>, vector<16xi32>,
      %add3A_568 = arith.constant 8389120 : i32
      %add3A_569 = vector.broadcast %add3A_568 : i32 to vector<16xi32>
      %add3A_570 = arith.addi %add3A_436, %add3A_569 : vector<16xi32>
      %mul3A_571 = arith.constant 16 : i32
      %mul3A_572 = arith.muli %scan3A_423, %mul3A_571 : i32
      %add3A_573 = arith.constant 1536 : i32
      %add3A_574 = arith.addi %add3A_573, %mul3A_572 : i32
      %swap3A_575 = arith.constant 2 : i32
      %swap3A_576 = arith.index_cast %swap3A_575 : i32 to index
      %swap3A_577 = arith.index_cast %add3A_574 : i32 to index
      %swap3A_578 = tpu.vector_load %arg8[%swap3A_576, %swap3A_577] {strides = array<i32>} : memref<4x2048xi32, #tpu.memory_space<vmem>>, vector<16xi32>,
      tpu.vector_store %arg8[%swap3A_576, %swap3A_577], %add3A_570 {strides = array<i32>} : memref<4x2048xi32, #tpu.memory_space<vmem>>, vector<16xi32>,
      %add3A_579 = arith.constant 8389248 : i32
      %add3A_580 = vector.broadcast %add3A_579 : i32 to vector<16xi32>
      %add3A_581 = arith.addi %add3A_436, %add3A_580 : vector<16xi32>
      %mul3A_582 = arith.constant 16 : i32
      %mul3A_583 = arith.muli %scan3A_423, %mul3A_582 : i32
      %add3A_584 = arith.constant 1664 : i32
      %add3A_585 = arith.addi %add3A_584, %mul3A_583 : i32
      %swap3A_586 = arith.constant 2 : i32
      %swap3A_587 = arith.index_cast %swap3A_586 : i32 to index
      %swap3A_588 = arith.index_cast %add3A_585 : i32 to index
      %swap3A_589 = tpu.vector_load %arg8[%swap3A_587, %swap3A_588] {strides = array<i32>} : memref<4x2048xi32, #tpu.memory_space<vmem>>, vector<16xi32>,
      tpu.vector_store %arg8[%swap3A_587, %swap3A_588], %add3A_581 {strides = array<i32>} : memref<4x2048xi32, #tpu.memory_space<vmem>>, vector<16xi32>,
      %add3A_590 = arith.constant 8389376 : i32
      %add3A_591 = vector.broadcast %add3A_590 : i32 to vector<16xi32>
      %add3A_592 = arith.addi %add3A_436, %add3A_591 : vector<16xi32>
      %mul3A_593 = arith.constant 16 : i32
      %mul3A_594 = arith.muli %scan3A_423, %mul3A_593 : i32
      %add3A_595 = arith.constant 1792 : i32
      %add3A_596 = arith.addi %add3A_595, %mul3A_594 : i32
      %swap3A_597 = arith.constant 2 : i32
      %swap3A_598 = arith.index_cast %swap3A_597 : i32 to index
      %swap3A_599 = arith.index_cast %add3A_596 : i32 to index
      %swap3A_600 = tpu.vector_load %arg8[%swap3A_598, %swap3A_599] {strides = array<i32>} : memref<4x2048xi32, #tpu.memory_space<vmem>>, vector<16xi32>,
      tpu.vector_store %arg8[%swap3A_598, %swap3A_599], %add3A_592 {strides = array<i32>} : memref<4x2048xi32, #tpu.memory_space<vmem>>, vector<16xi32>,
      %add3A_601 = arith.constant 8389504 : i32
      %add3A_602 = vector.broadcast %add3A_601 : i32 to vector<16xi32>
      %add3A_603 = arith.addi %add3A_436, %add3A_602 : vector<16xi32>
      %mul3A_604 = arith.constant 16 : i32
      %mul3A_605 = arith.muli %scan3A_423, %mul3A_604 : i32
      %add3A_606 = arith.constant 1920 : i32
      %add3A_607 = arith.addi %add3A_606, %mul3A_605 : i32
      %swap3A_608 = arith.constant 2 : i32
      %swap3A_609 = arith.index_cast %swap3A_608 : i32 to index
      %swap3A_610 = arith.index_cast %add3A_607 : i32 to index
      %swap3A_611 = tpu.vector_load %arg8[%swap3A_609, %swap3A_610] {strides = array<i32>} : memref<4x2048xi32, #tpu.memory_space<vmem>>, vector<16xi32>,
      tpu.vector_store %arg8[%swap3A_609, %swap3A_610], %add3A_603 {strides = array<i32>} : memref<4x2048xi32, #tpu.memory_space<vmem>>, vector<16xi32>,
    }
    %scan3A_44 = arith.constant 8 : i32
    %dma_start3A_45 = arith.constant 2 : i32
    %dma_start3A_46 = arith.constant 2 : i32
    %dma_start3A_47 = arith.constant 2 : i32
    %dma_start3A_48 = arith.constant 0 : i32
    %dma_start3A_49 = tpu.memref_slice %arg9[%dma_start3A_46, %dma_start3A_48] : memref<4x2048xf32, #tpu.memory_space<vmem>> -> memref<1x2048xf32, #tpu.memory_space<vmem>>
    %dma_start3A_50 = tpu.memref_squeeze %dma_start3A_49 : memref<1x2048xf32, #tpu.memory_space<vmem>> -> memref<2048xf32, #tpu.memory_space<vmem>>
    %dma_start3A_51 = arith.constant 0 : i32
    %dma_start3A_52 = tpu.memref_slice %arg8[%dma_start3A_45, %dma_start3A_51] : memref<4x2048xi32, #tpu.memory_space<vmem>> -> memref<1x2048xi32, #tpu.memory_space<vmem>>
    %dma_start3A_53 = tpu.memref_squeeze %dma_start3A_52 : memref<1x2048xi32, #tpu.memory_space<vmem>> -> memref<2048xi32, #tpu.memory_space<vmem>>
    %dma_start3A_54 = arith.constant 0 : i32
    %dma_start3A_55 = tpu.memref_slice %arg4[%dma_start3A_54] : memref<16777216xf32, #tpu.memory_space<hbm>> -> memref<16777216xf32, #tpu.memory_space<hbm>>
    %dma_start3A_56 = tpu.memref_slice %arg10[%dma_start3A_47] : memref<4x!tpu.dma_semaphore, #tpu.memory_space<semaphore_mem>> -> memref<1x!tpu.dma_semaphore, #tpu.memory_space<semaphore_mem>>
    %dma_start3A_57 = tpu.memref_squeeze %dma_start3A_56 : memref<1x!tpu.dma_semaphore, #tpu.memory_space<semaphore_mem>> -> memref<!tpu.dma_semaphore, #tpu.memory_space<semaphore_mem>>
    tpu.enqueue_indirect_dma source(%dma_start3A_55 : memref<16777216xf32, #tpu.memory_space<hbm>>) target(%dma_start3A_50 : memref<2048xf32, #tpu.memory_space<vmem>>) offsets(%dma_start3A_53 : memref<2048xi32, #tpu.memory_space<vmem>>) semaphore(%dma_start3A_57 : memref<!tpu.dma_semaphore, #tpu.memory_space<semaphore_mem>>)
    %scan3A_58 = arith.constant 0 : i32
    %scan3A_59 = arith.constant 0 : i32
    %scan3A_60 = arith.constant 8 : i32
    %scan3A_61 = arith.addi %scan3A_59, %scan3A_60 : i32
    %scan3A_62 = arith.constant 1 : i32
    scf.for %scan3A_423 = %scan3A_59 to %scan3A_61 step %scan3A_62  : i32 {
      %mul3A_424 = arith.constant 16 : i32
      %mul3A_425 = arith.muli %scan3A_423, %mul3A_424 : i32
      %add3A_426 = arith.constant 384 : i32
      %add3A_427 = arith.addi %add3A_426, %mul3A_425 : i32
      %get3A_428 = arith.index_cast %add3A_427 : i32 to index
      %get3A_429 = tpu.vector_load %arg6[%get3A_428] {strides = array<i32>} : memref<512xi32, #tpu.memory_space<vmem>>, vector<16xi32>,
      %shift_right_arithmetic3A = arith.constant 7 : i32
      %shift_right_arithmetic3A_430 = vector.broadcast %shift_right_arithmetic3A : i32 to vector<16xi32>
      %shift_right_arithmetic3A_431 = arith.shrsi %get3A_429, %shift_right_arithmetic3A_430 : vector<16xi32>
      %shift_left3A = arith.constant 10 : i32
      %shift_left3A_432 = vector.broadcast %shift_left3A : i32 to vector<16xi32>
      %shift_left3A_433 = arith.shli %shift_right_arithmetic3A_431, %shift_left3A_432 : vector<16xi32>
      %and3A = arith.constant 127 : i32
      %and3A_434 = vector.broadcast %and3A : i32 to vector<16xi32>
      %and3A_435 = arith.andi %get3A_429, %and3A_434 : vector<16xi32>
      %add3A_436 = arith.addi %shift_left3A_433, %and3A_435 : vector<16xi32>
      %add3A_437 = arith.constant 0 : i32
      %add3A_438 = vector.broadcast %add3A_437 : i32 to vector<16xi32>
      %add3A_439 = arith.addi %add3A_436, %add3A_438 : vector<16xi32>
      %mul3A_440 = arith.constant 16 : i32
      %mul3A_441 = arith.muli %scan3A_423, %mul3A_440 : i32
      %add3A_442 = arith.constant 0 : i32
      %add3A_443 = arith.addi %add3A_442, %mul3A_441 : i32
      %swap3A = arith.constant 3 : i32
      %swap3A_444 = arith.index_cast %swap3A : i32 to index
      %swap3A_445 = arith.index_cast %add3A_443 : i32 to index
      %swap3A_446 = tpu.vector_load %arg8[%swap3A_444, %swap3A_445] {strides = array<i32>} : memref<4x2048xi32, #tpu.memory_space<vmem>>, vector<16xi32>,
      tpu.vector_store %arg8[%swap3A_444, %swap3A_445], %add3A_439 {strides = array<i32>} : memref<4x2048xi32, #tpu.memory_space<vmem>>, vector<16xi32>,
      %add3A_447 = arith.constant 128 : i32
      %add3A_448 = vector.broadcast %add3A_447 : i32 to vector<16xi32>
      %add3A_449 = arith.addi %add3A_436, %add3A_448 : vector<16xi32>
      %mul3A_450 = arith.constant 16 : i32
      %mul3A_451 = arith.muli %scan3A_423, %mul3A_450 : i32
      %add3A_452 = arith.constant 128 : i32
      %add3A_453 = arith.addi %add3A_452, %mul3A_451 : i32
      %swap3A_454 = arith.constant 3 : i32
      %swap3A_455 = arith.index_cast %swap3A_454 : i32 to index
      %swap3A_456 = arith.index_cast %add3A_453 : i32 to index
      %swap3A_457 = tpu.vector_load %arg8[%swap3A_455, %swap3A_456] {strides = array<i32>} : memref<4x2048xi32, #tpu.memory_space<vmem>>, vector<16xi32>,
      tpu.vector_store %arg8[%swap3A_455, %swap3A_456], %add3A_449 {strides = array<i32>} : memref<4x2048xi32, #tpu.memory_space<vmem>>, vector<16xi32>,
      %add3A_458 = arith.constant 256 : i32
      %add3A_459 = vector.broadcast %add3A_458 : i32 to vector<16xi32>
      %add3A_460 = arith.addi %add3A_436, %add3A_459 : vector<16xi32>
      %mul3A_461 = arith.constant 16 : i32
      %mul3A_462 = arith.muli %scan3A_423, %mul3A_461 : i32
      %add3A_463 = arith.constant 256 : i32
      %add3A_464 = arith.addi %add3A_463, %mul3A_462 : i32
      %swap3A_465 = arith.constant 3 : i32
      %swap3A_466 = arith.index_cast %swap3A_465 : i32 to index
      %swap3A_467 = arith.index_cast %add3A_464 : i32 to index
      %swap3A_468 = tpu.vector_load %arg8[%swap3A_466, %swap3A_467] {strides = array<i32>} : memref<4x2048xi32, #tpu.memory_space<vmem>>, vector<16xi32>,
      tpu.vector_store %arg8[%swap3A_466, %swap3A_467], %add3A_460 {strides = array<i32>} : memref<4x2048xi32, #tpu.memory_space<vmem>>, vector<16xi32>,
      %add3A_469 = arith.constant 384 : i32
      %add3A_470 = vector.broadcast %add3A_469 : i32 to vector<16xi32>
      %add3A_471 = arith.addi %add3A_436, %add3A_470 : vector<16xi32>
      %mul3A_472 = arith.constant 16 : i32
      %mul3A_473 = arith.muli %scan3A_423, %mul3A_472 : i32
      %add3A_474 = arith.constant 384 : i32
      %add3A_475 = arith.addi %add3A_474, %mul3A_473 : i32
      %swap3A_476 = arith.constant 3 : i32
      %swap3A_477 = arith.index_cast %swap3A_476 : i32 to index
      %swap3A_478 = arith.index_cast %add3A_475 : i32 to index
      %swap3A_479 = tpu.vector_load %arg8[%swap3A_477, %swap3A_478] {strides = array<i32>} : memref<4x2048xi32, #tpu.memory_space<vmem>>, vector<16xi32>,
      tpu.vector_store %arg8[%swap3A_477, %swap3A_478], %add3A_471 {strides = array<i32>} : memref<4x2048xi32, #tpu.memory_space<vmem>>, vector<16xi32>,
      %add3A_480 = arith.constant 512 : i32
      %add3A_481 = vector.broadcast %add3A_480 : i32 to vector<16xi32>
      %add3A_482 = arith.addi %add3A_436, %add3A_481 : vector<16xi32>
      %mul3A_483 = arith.constant 16 : i32
      %mul3A_484 = arith.muli %scan3A_423, %mul3A_483 : i32
      %add3A_485 = arith.constant 512 : i32
      %add3A_486 = arith.addi %add3A_485, %mul3A_484 : i32
      %swap3A_487 = arith.constant 3 : i32
      %swap3A_488 = arith.index_cast %swap3A_487 : i32 to index
      %swap3A_489 = arith.index_cast %add3A_486 : i32 to index
      %swap3A_490 = tpu.vector_load %arg8[%swap3A_488, %swap3A_489] {strides = array<i32>} : memref<4x2048xi32, #tpu.memory_space<vmem>>, vector<16xi32>,
      tpu.vector_store %arg8[%swap3A_488, %swap3A_489], %add3A_482 {strides = array<i32>} : memref<4x2048xi32, #tpu.memory_space<vmem>>, vector<16xi32>,
      %add3A_491 = arith.constant 640 : i32
      %add3A_492 = vector.broadcast %add3A_491 : i32 to vector<16xi32>
      %add3A_493 = arith.addi %add3A_436, %add3A_492 : vector<16xi32>
      %mul3A_494 = arith.constant 16 : i32
      %mul3A_495 = arith.muli %scan3A_423, %mul3A_494 : i32
      %add3A_496 = arith.constant 640 : i32
      %add3A_497 = arith.addi %add3A_496, %mul3A_495 : i32
      %swap3A_498 = arith.constant 3 : i32
      %swap3A_499 = arith.index_cast %swap3A_498 : i32 to index
      %swap3A_500 = arith.index_cast %add3A_497 : i32 to index
      %swap3A_501 = tpu.vector_load %arg8[%swap3A_499, %swap3A_500] {strides = array<i32>} : memref<4x2048xi32, #tpu.memory_space<vmem>>, vector<16xi32>,
      tpu.vector_store %arg8[%swap3A_499, %swap3A_500], %add3A_493 {strides = array<i32>} : memref<4x2048xi32, #tpu.memory_space<vmem>>, vector<16xi32>,
      %add3A_502 = arith.constant 768 : i32
      %add3A_503 = vector.broadcast %add3A_502 : i32 to vector<16xi32>
      %add3A_504 = arith.addi %add3A_436, %add3A_503 : vector<16xi32>
      %mul3A_505 = arith.constant 16 : i32
      %mul3A_506 = arith.muli %scan3A_423, %mul3A_505 : i32
      %add3A_507 = arith.constant 768 : i32
      %add3A_508 = arith.addi %add3A_507, %mul3A_506 : i32
      %swap3A_509 = arith.constant 3 : i32
      %swap3A_510 = arith.index_cast %swap3A_509 : i32 to index
      %swap3A_511 = arith.index_cast %add3A_508 : i32 to index
      %swap3A_512 = tpu.vector_load %arg8[%swap3A_510, %swap3A_511] {strides = array<i32>} : memref<4x2048xi32, #tpu.memory_space<vmem>>, vector<16xi32>,
      tpu.vector_store %arg8[%swap3A_510, %swap3A_511], %add3A_504 {strides = array<i32>} : memref<4x2048xi32, #tpu.memory_space<vmem>>, vector<16xi32>,
      %add3A_513 = arith.constant 896 : i32
      %add3A_514 = vector.broadcast %add3A_513 : i32 to vector<16xi32>
      %add3A_515 = arith.addi %add3A_436, %add3A_514 : vector<16xi32>
      %mul3A_516 = arith.constant 16 : i32
      %mul3A_517 = arith.muli %scan3A_423, %mul3A_516 : i32
      %add3A_518 = arith.constant 896 : i32
      %add3A_519 = arith.addi %add3A_518, %mul3A_517 : i32
      %swap3A_520 = arith.constant 3 : i32
      %swap3A_521 = arith.index_cast %swap3A_520 : i32 to index
      %swap3A_522 = arith.index_cast %add3A_519 : i32 to index
      %swap3A_523 = tpu.vector_load %arg8[%swap3A_521, %swap3A_522] {strides = array<i32>} : memref<4x2048xi32, #tpu.memory_space<vmem>>, vector<16xi32>,
      tpu.vector_store %arg8[%swap3A_521, %swap3A_522], %add3A_515 {strides = array<i32>} : memref<4x2048xi32, #tpu.memory_space<vmem>>, vector<16xi32>,
      %add3A_524 = arith.constant 8388608 : i32
      %add3A_525 = vector.broadcast %add3A_524 : i32 to vector<16xi32>
      %add3A_526 = arith.addi %add3A_436, %add3A_525 : vector<16xi32>
      %mul3A_527 = arith.constant 16 : i32
      %mul3A_528 = arith.muli %scan3A_423, %mul3A_527 : i32
      %add3A_529 = arith.constant 1024 : i32
      %add3A_530 = arith.addi %add3A_529, %mul3A_528 : i32
      %swap3A_531 = arith.constant 3 : i32
      %swap3A_532 = arith.index_cast %swap3A_531 : i32 to index
      %swap3A_533 = arith.index_cast %add3A_530 : i32 to index
      %swap3A_534 = tpu.vector_load %arg8[%swap3A_532, %swap3A_533] {strides = array<i32>} : memref<4x2048xi32, #tpu.memory_space<vmem>>, vector<16xi32>,
      tpu.vector_store %arg8[%swap3A_532, %swap3A_533], %add3A_526 {strides = array<i32>} : memref<4x2048xi32, #tpu.memory_space<vmem>>, vector<16xi32>,
      %add3A_535 = arith.constant 8388736 : i32
      %add3A_536 = vector.broadcast %add3A_535 : i32 to vector<16xi32>
      %add3A_537 = arith.addi %add3A_436, %add3A_536 : vector<16xi32>
      %mul3A_538 = arith.constant 16 : i32
      %mul3A_539 = arith.muli %scan3A_423, %mul3A_538 : i32
      %add3A_540 = arith.constant 1152 : i32
      %add3A_541 = arith.addi %add3A_540, %mul3A_539 : i32
      %swap3A_542 = arith.constant 3 : i32
      %swap3A_543 = arith.index_cast %swap3A_542 : i32 to index
      %swap3A_544 = arith.index_cast %add3A_541 : i32 to index
      %swap3A_545 = tpu.vector_load %arg8[%swap3A_543, %swap3A_544] {strides = array<i32>} : memref<4x2048xi32, #tpu.memory_space<vmem>>, vector<16xi32>,
      tpu.vector_store %arg8[%swap3A_543, %swap3A_544], %add3A_537 {strides = array<i32>} : memref<4x2048xi32, #tpu.memory_space<vmem>>, vector<16xi32>,
      %add3A_546 = arith.constant 8388864 : i32
      %add3A_547 = vector.broadcast %add3A_546 : i32 to vector<16xi32>
      %add3A_548 = arith.addi %add3A_436, %add3A_547 : vector<16xi32>
      %mul3A_549 = arith.constant 16 : i32
      %mul3A_550 = arith.muli %scan3A_423, %mul3A_549 : i32
      %add3A_551 = arith.constant 1280 : i32
      %add3A_552 = arith.addi %add3A_551, %mul3A_550 : i32
      %swap3A_553 = arith.constant 3 : i32
      %swap3A_554 = arith.index_cast %swap3A_553 : i32 to index
      %swap3A_555 = arith.index_cast %add3A_552 : i32 to index
      %swap3A_556 = tpu.vector_load %arg8[%swap3A_554, %swap3A_555] {strides = array<i32>} : memref<4x2048xi32, #tpu.memory_space<vmem>>, vector<16xi32>,
      tpu.vector_store %arg8[%swap3A_554, %swap3A_555], %add3A_548 {strides = array<i32>} : memref<4x2048xi32, #tpu.memory_space<vmem>>, vector<16xi32>,
      %add3A_557 = arith.constant 8388992 : i32
      %add3A_558 = vector.broadcast %add3A_557 : i32 to vector<16xi32>
      %add3A_559 = arith.addi %add3A_436, %add3A_558 : vector<16xi32>
      %mul3A_560 = arith.constant 16 : i32
      %mul3A_561 = arith.muli %scan3A_423, %mul3A_560 : i32
      %add3A_562 = arith.constant 1408 : i32
      %add3A_563 = arith.addi %add3A_562, %mul3A_561 : i32
      %swap3A_564 = arith.constant 3 : i32
      %swap3A_565 = arith.index_cast %swap3A_564 : i32 to index
      %swap3A_566 = arith.index_cast %add3A_563 : i32 to index
      %swap3A_567 = tpu.vector_load %arg8[%swap3A_565, %swap3A_566] {strides = array<i32>} : memref<4x2048xi32, #tpu.memory_space<vmem>>, vector<16xi32>,
      tpu.vector_store %arg8[%swap3A_565, %swap3A_566], %add3A_559 {strides = array<i32>} : memref<4x2048xi32, #tpu.memory_space<vmem>>, vector<16xi32>,
      %add3A_568 = arith.constant 8389120 : i32
      %add3A_569 = vector.broadcast %add3A_568 : i32 to vector<16xi32>
      %add3A_570 = arith.addi %add3A_436, %add3A_569 : vector<16xi32>
      %mul3A_571 = arith.constant 16 : i32
      %mul3A_572 = arith.muli %scan3A_423, %mul3A_571 : i32
      %add3A_573 = arith.constant 1536 : i32
      %add3A_574 = arith.addi %add3A_573, %mul3A_572 : i32
      %swap3A_575 = arith.constant 3 : i32
      %swap3A_576 = arith.index_cast %swap3A_575 : i32 to index
      %swap3A_577 = arith.index_cast %add3A_574 : i32 to index
      %swap3A_578 = tpu.vector_load %arg8[%swap3A_576, %swap3A_577] {strides = array<i32>} : memref<4x2048xi32, #tpu.memory_space<vmem>>, vector<16xi32>,
      tpu.vector_store %arg8[%swap3A_576, %swap3A_577], %add3A_570 {strides = array<i32>} : memref<4x2048xi32, #tpu.memory_space<vmem>>, vector<16xi32>,
      %add3A_579 = arith.constant 8389248 : i32
      %add3A_580 = vector.broadcast %add3A_579 : i32 to vector<16xi32>
      %add3A_581 = arith.addi %add3A_436, %add3A_580 : vector<16xi32>
      %mul3A_582 = arith.constant 16 : i32
      %mul3A_583 = arith.muli %scan3A_423, %mul3A_582 : i32
      %add3A_584 = arith.constant 1664 : i32
      %add3A_585 = arith.addi %add3A_584, %mul3A_583 : i32
      %swap3A_586 = arith.constant 3 : i32
      %swap3A_587 = arith.index_cast %swap3A_586 : i32 to index
      %swap3A_588 = arith.index_cast %add3A_585 : i32 to index
      %swap3A_589 = tpu.vector_load %arg8[%swap3A_587, %swap3A_588] {strides = array<i32>} : memref<4x2048xi32, #tpu.memory_space<vmem>>, vector<16xi32>,
      tpu.vector_store %arg8[%swap3A_587, %swap3A_588], %add3A_581 {strides = array<i32>} : memref<4x2048xi32, #tpu.memory_space<vmem>>, vector<16xi32>,
      %add3A_590 = arith.constant 8389376 : i32
      %add3A_591 = vector.broadcast %add3A_590 : i32 to vector<16xi32>
      %add3A_592 = arith.addi %add3A_436, %add3A_591 : vector<16xi32>
      %mul3A_593 = arith.constant 16 : i32
      %mul3A_594 = arith.muli %scan3A_423, %mul3A_593 : i32
      %add3A_595 = arith.constant 1792 : i32
      %add3A_596 = arith.addi %add3A_595, %mul3A_594 : i32
      %swap3A_597 = arith.constant 3 : i32
      %swap3A_598 = arith.index_cast %swap3A_597 : i32 to index
      %swap3A_599 = arith.index_cast %add3A_596 : i32 to index
      %swap3A_600 = tpu.vector_load %arg8[%swap3A_598, %swap3A_599] {strides = array<i32>} : memref<4x2048xi32, #tpu.memory_space<vmem>>, vector<16xi32>,
      tpu.vector_store %arg8[%swap3A_598, %swap3A_599], %add3A_592 {strides = array<i32>} : memref<4x2048xi32, #tpu.memory_space<vmem>>, vector<16xi32>,
      %add3A_601 = arith.constant 8389504 : i32
      %add3A_602 = vector.broadcast %add3A_601 : i32 to vector<16xi32>
      %add3A_603 = arith.addi %add3A_436, %add3A_602 : vector<16xi32>
      %mul3A_604 = arith.constant 16 : i32
      %mul3A_605 = arith.muli %scan3A_423, %mul3A_604 : i32
      %add3A_606 = arith.constant 1920 : i32
      %add3A_607 = arith.addi %add3A_606, %mul3A_605 : i32
      %swap3A_608 = arith.constant 3 : i32
      %swap3A_609 = arith.index_cast %swap3A_608 : i32 to index
      %swap3A_610 = arith.index_cast %add3A_607 : i32 to index
      %swap3A_611 = tpu.vector_load %arg8[%swap3A_609, %swap3A_610] {strides = array<i32>} : memref<4x2048xi32, #tpu.memory_space<vmem>>, vector<16xi32>,
      tpu.vector_store %arg8[%swap3A_609, %swap3A_610], %add3A_603 {strides = array<i32>} : memref<4x2048xi32, #tpu.memory_space<vmem>>, vector<16xi32>,
    }
    %scan3A_63 = arith.constant 8 : i32
    %dma_start3A_64 = arith.constant 3 : i32
    %dma_start3A_65 = arith.constant 3 : i32
    %dma_start3A_66 = arith.constant 3 : i32
    %dma_start3A_67 = arith.constant 0 : i32
    %dma_start3A_68 = tpu.memref_slice %arg9[%dma_start3A_65, %dma_start3A_67] : memref<4x2048xf32, #tpu.memory_space<vmem>> -> memref<1x2048xf32, #tpu.memory_space<vmem>>
    %dma_start3A_69 = tpu.memref_squeeze %dma_start3A_68 : memref<1x2048xf32, #tpu.memory_space<vmem>> -> memref<2048xf32, #tpu.memory_space<vmem>>
    %dma_start3A_70 = arith.constant 0 : i32
    %dma_start3A_71 = tpu.memref_slice %arg8[%dma_start3A_64, %dma_start3A_70] : memref<4x2048xi32, #tpu.memory_space<vmem>> -> memref<1x2048xi32, #tpu.memory_space<vmem>>
    %dma_start3A_72 = tpu.memref_squeeze %dma_start3A_71 : memref<1x2048xi32, #tpu.memory_space<vmem>> -> memref<2048xi32, #tpu.memory_space<vmem>>
    %dma_start3A_73 = arith.constant 0 : i32
    %dma_start3A_74 = tpu.memref_slice %arg4[%dma_start3A_73] : memref<16777216xf32, #tpu.memory_space<hbm>> -> memref<16777216xf32, #tpu.memory_space<hbm>>
    %dma_start3A_75 = tpu.memref_slice %arg10[%dma_start3A_66] : memref<4x!tpu.dma_semaphore, #tpu.memory_space<semaphore_mem>> -> memref<1x!tpu.dma_semaphore, #tpu.memory_space<semaphore_mem>>
    %dma_start3A_76 = tpu.memref_squeeze %dma_start3A_75 : memref<1x!tpu.dma_semaphore, #tpu.memory_space<semaphore_mem>> -> memref<!tpu.dma_semaphore, #tpu.memory_space<semaphore_mem>>
    tpu.enqueue_indirect_dma source(%dma_start3A_74 : memref<16777216xf32, #tpu.memory_space<hbm>>) target(%dma_start3A_69 : memref<2048xf32, #tpu.memory_space<vmem>>) offsets(%dma_start3A_72 : memref<2048xi32, #tpu.memory_space<vmem>>) semaphore(%dma_start3A_76 : memref<!tpu.dma_semaphore, #tpu.memory_space<semaphore_mem>>)
    %dma_wait3A = arith.constant 0 : i32
    %dma_wait3A_77 = arith.constant 0 : i32
    %dma_wait3A_78 = arith.constant 0 : i32
    %dma_wait3A_79 = arith.constant 0 : i32
    %dma_wait3A_80 = tpu.memref_slice %arg9[%dma_wait3A_77, %dma_wait3A_79] : memref<4x2048xf32, #tpu.memory_space<vmem>> -> memref<1x2048xf32, #tpu.memory_space<vmem>>
    %dma_wait3A_81 = tpu.memref_squeeze %dma_wait3A_80 : memref<1x2048xf32, #tpu.memory_space<vmem>> -> memref<2048xf32, #tpu.memory_space<vmem>>
    %dma_wait3A_82 = arith.constant 0 : i32
    %dma_wait3A_83 = tpu.memref_slice %arg8[%dma_wait3A, %dma_wait3A_82] : memref<4x2048xi32, #tpu.memory_space<vmem>> -> memref<1x2048xi32, #tpu.memory_space<vmem>>
    %dma_wait3A_84 = tpu.memref_squeeze %dma_wait3A_83 : memref<1x2048xi32, #tpu.memory_space<vmem>> -> memref<2048xi32, #tpu.memory_space<vmem>>
    %dma_wait3A_85 = arith.constant 0 : i32
    %dma_wait3A_86 = tpu.memref_slice %arg4[%dma_wait3A_85] : memref<16777216xf32, #tpu.memory_space<hbm>> -> memref<16777216xf32, #tpu.memory_space<hbm>>
    %dma_wait3A_87 = tpu.memref_slice %arg10[%dma_wait3A_78] : memref<4x!tpu.dma_semaphore, #tpu.memory_space<semaphore_mem>> -> memref<1x!tpu.dma_semaphore, #tpu.memory_space<semaphore_mem>>
    %dma_wait3A_88 = tpu.memref_squeeze %dma_wait3A_87 : memref<1x!tpu.dma_semaphore, #tpu.memory_space<semaphore_mem>> -> memref<!tpu.dma_semaphore, #tpu.memory_space<semaphore_mem>>
    tpu.wait_indirect_dma semaphore(%dma_wait3A_88 : memref<!tpu.dma_semaphore, #tpu.memory_space<semaphore_mem>>) src(%dma_wait3A_86 : memref<16777216xf32, #tpu.memory_space<hbm>>) dst(%dma_wait3A_81 : memref<2048xf32, #tpu.memory_space<vmem>>)
    %get3A = arith.constant 0 : index
    %get3A_89 = tpu.vector_load %arg7[%get3A] {strides = array<i32>} : memref<512xf32, #tpu.memory_space<vmem>>, vector<16xf32>,
    %get3A_90 = arith.constant 16 : index
    %get3A_91 = tpu.vector_load %arg7[%get3A_90] {strides = array<i32>} : memref<512xf32, #tpu.memory_space<vmem>>, vector<16xf32>,
    %get3A_92 = arith.constant 32 : index
    %get3A_93 = tpu.vector_load %arg7[%get3A_92] {strides = array<i32>} : memref<512xf32, #tpu.memory_space<vmem>>, vector<16xf32>,
    %get3A_94 = arith.constant 48 : index
    %get3A_95 = tpu.vector_load %arg7[%get3A_94] {strides = array<i32>} : memref<512xf32, #tpu.memory_space<vmem>>, vector<16xf32>,
    %get3A_96 = arith.constant 64 : index
    %get3A_97 = tpu.vector_load %arg7[%get3A_96] {strides = array<i32>} : memref<512xf32, #tpu.memory_space<vmem>>, vector<16xf32>,
    %get3A_98 = arith.constant 80 : index
    %get3A_99 = tpu.vector_load %arg7[%get3A_98] {strides = array<i32>} : memref<512xf32, #tpu.memory_space<vmem>>, vector<16xf32>,
    %get3A_100 = arith.constant 96 : index
    %get3A_101 = tpu.vector_load %arg7[%get3A_100] {strides = array<i32>} : memref<512xf32, #tpu.memory_space<vmem>>, vector<16xf32>,
    %get3A_102 = arith.constant 112 : index
    %get3A_103 = tpu.vector_load %arg7[%get3A_102] {strides = array<i32>} : memref<512xf32, #tpu.memory_space<vmem>>, vector<16xf32>,
    %scan3A_104 = arith.constant 0 : i32
    %scan3A_105 = arith.constant 0 : i32
    %scan3A_106 = arith.constant 16 : i32
    %scan3A_107 = arith.addi %scan3A_105, %scan3A_106 : i32
    %scan3A_108 = arith.constant 1 : i32
    scf.for %scan3A_423 = %scan3A_105 to %scan3A_107 step %scan3A_108  : i32 {
      %mul3A_424 = arith.constant 128 : i32
      %mul3A_425 = arith.muli %scan3A_423, %mul3A_424 : i32
      %add3A_426 = arith.constant 0 : i32
      %add3A_427 = arith.addi %mul3A_425, %add3A_426 : i32
      %get3A_428 = arith.constant 0 : i32
      %get3A_429 = arith.index_cast %get3A_428 : i32 to index
      %get3A_430 = arith.index_cast %add3A_427 : i32 to index
      %get3A_431 = tpu.vector_load %arg9[%get3A_429, %get3A_430] {strides = array<i32>} : memref<4x2048xf32, #tpu.memory_space<vmem>>, vector<16xf32>,
      %mul3A_432 = arith.mulf %get3A_431, %get3A_89 : vector<16xf32>
      %swap3A = arith.constant 0 : i32
      %swap3A_433 = arith.index_cast %swap3A : i32 to index
      %swap3A_434 = arith.index_cast %add3A_427 : i32 to index
      %swap3A_435 = tpu.vector_load %arg9[%swap3A_433, %swap3A_434] {strides = array<i32>} : memref<4x2048xf32, #tpu.memory_space<vmem>>, vector<16xf32>,
      tpu.vector_store %arg9[%swap3A_433, %swap3A_434], %mul3A_432 {strides = array<i32>} : memref<4x2048xf32, #tpu.memory_space<vmem>>, vector<16xf32>,
      %mul3A_436 = arith.constant 128 : i32
      %mul3A_437 = arith.muli %scan3A_423, %mul3A_436 : i32
      %add3A_438 = arith.constant 16 : i32
      %add3A_439 = arith.addi %mul3A_437, %add3A_438 : i32
      %get3A_440 = arith.constant 0 : i32
      %get3A_441 = arith.index_cast %get3A_440 : i32 to index
      %get3A_442 = arith.index_cast %add3A_439 : i32 to index
      %get3A_443 = tpu.vector_load %arg9[%get3A_441, %get3A_442] {strides = array<i32>} : memref<4x2048xf32, #tpu.memory_space<vmem>>, vector<16xf32>,
      %mul3A_444 = arith.mulf %get3A_443, %get3A_91 : vector<16xf32>
      %swap3A_445 = arith.constant 0 : i32
      %swap3A_446 = arith.index_cast %swap3A_445 : i32 to index
      %swap3A_447 = arith.index_cast %add3A_439 : i32 to index
      %swap3A_448 = tpu.vector_load %arg9[%swap3A_446, %swap3A_447] {strides = array<i32>} : memref<4x2048xf32, #tpu.memory_space<vmem>>, vector<16xf32>,
      tpu.vector_store %arg9[%swap3A_446, %swap3A_447], %mul3A_444 {strides = array<i32>} : memref<4x2048xf32, #tpu.memory_space<vmem>>, vector<16xf32>,
      %mul3A_449 = arith.constant 128 : i32
      %mul3A_450 = arith.muli %scan3A_423, %mul3A_449 : i32
      %add3A_451 = arith.constant 32 : i32
      %add3A_452 = arith.addi %mul3A_450, %add3A_451 : i32
      %get3A_453 = arith.constant 0 : i32
      %get3A_454 = arith.index_cast %get3A_453 : i32 to index
      %get3A_455 = arith.index_cast %add3A_452 : i32 to index
      %get3A_456 = tpu.vector_load %arg9[%get3A_454, %get3A_455] {strides = array<i32>} : memref<4x2048xf32, #tpu.memory_space<vmem>>, vector<16xf32>,
      %mul3A_457 = arith.mulf %get3A_456, %get3A_93 : vector<16xf32>
      %swap3A_458 = arith.constant 0 : i32
      %swap3A_459 = arith.index_cast %swap3A_458 : i32 to index
      %swap3A_460 = arith.index_cast %add3A_452 : i32 to index
      %swap3A_461 = tpu.vector_load %arg9[%swap3A_459, %swap3A_460] {strides = array<i32>} : memref<4x2048xf32, #tpu.memory_space<vmem>>, vector<16xf32>,
      tpu.vector_store %arg9[%swap3A_459, %swap3A_460], %mul3A_457 {strides = array<i32>} : memref<4x2048xf32, #tpu.memory_space<vmem>>, vector<16xf32>,
      %mul3A_462 = arith.constant 128 : i32
      %mul3A_463 = arith.muli %scan3A_423, %mul3A_462 : i32
      %add3A_464 = arith.constant 48 : i32
      %add3A_465 = arith.addi %mul3A_463, %add3A_464 : i32
      %get3A_466 = arith.constant 0 : i32
      %get3A_467 = arith.index_cast %get3A_466 : i32 to index
      %get3A_468 = arith.index_cast %add3A_465 : i32 to index
      %get3A_469 = tpu.vector_load %arg9[%get3A_467, %get3A_468] {strides = array<i32>} : memref<4x2048xf32, #tpu.memory_space<vmem>>, vector<16xf32>,
      %mul3A_470 = arith.mulf %get3A_469, %get3A_95 : vector<16xf32>
      %swap3A_471 = arith.constant 0 : i32
      %swap3A_472 = arith.index_cast %swap3A_471 : i32 to index
      %swap3A_473 = arith.index_cast %add3A_465 : i32 to index
      %swap3A_474 = tpu.vector_load %arg9[%swap3A_472, %swap3A_473] {strides = array<i32>} : memref<4x2048xf32, #tpu.memory_space<vmem>>, vector<16xf32>,
      tpu.vector_store %arg9[%swap3A_472, %swap3A_473], %mul3A_470 {strides = array<i32>} : memref<4x2048xf32, #tpu.memory_space<vmem>>, vector<16xf32>,
      %mul3A_475 = arith.constant 128 : i32
      %mul3A_476 = arith.muli %scan3A_423, %mul3A_475 : i32
      %add3A_477 = arith.constant 64 : i32
      %add3A_478 = arith.addi %mul3A_476, %add3A_477 : i32
      %get3A_479 = arith.constant 0 : i32
      %get3A_480 = arith.index_cast %get3A_479 : i32 to index
      %get3A_481 = arith.index_cast %add3A_478 : i32 to index
      %get3A_482 = tpu.vector_load %arg9[%get3A_480, %get3A_481] {strides = array<i32>} : memref<4x2048xf32, #tpu.memory_space<vmem>>, vector<16xf32>,
      %mul3A_483 = arith.mulf %get3A_482, %get3A_97 : vector<16xf32>
      %swap3A_484 = arith.constant 0 : i32
      %swap3A_485 = arith.index_cast %swap3A_484 : i32 to index
      %swap3A_486 = arith.index_cast %add3A_478 : i32 to index
      %swap3A_487 = tpu.vector_load %arg9[%swap3A_485, %swap3A_486] {strides = array<i32>} : memref<4x2048xf32, #tpu.memory_space<vmem>>, vector<16xf32>,
      tpu.vector_store %arg9[%swap3A_485, %swap3A_486], %mul3A_483 {strides = array<i32>} : memref<4x2048xf32, #tpu.memory_space<vmem>>, vector<16xf32>,
      %mul3A_488 = arith.constant 128 : i32
      %mul3A_489 = arith.muli %scan3A_423, %mul3A_488 : i32
      %add3A_490 = arith.constant 80 : i32
      %add3A_491 = arith.addi %mul3A_489, %add3A_490 : i32
      %get3A_492 = arith.constant 0 : i32
      %get3A_493 = arith.index_cast %get3A_492 : i32 to index
      %get3A_494 = arith.index_cast %add3A_491 : i32 to index
      %get3A_495 = tpu.vector_load %arg9[%get3A_493, %get3A_494] {strides = array<i32>} : memref<4x2048xf32, #tpu.memory_space<vmem>>, vector<16xf32>,
      %mul3A_496 = arith.mulf %get3A_495, %get3A_99 : vector<16xf32>
      %swap3A_497 = arith.constant 0 : i32
      %swap3A_498 = arith.index_cast %swap3A_497 : i32 to index
      %swap3A_499 = arith.index_cast %add3A_491 : i32 to index
      %swap3A_500 = tpu.vector_load %arg9[%swap3A_498, %swap3A_499] {strides = array<i32>} : memref<4x2048xf32, #tpu.memory_space<vmem>>, vector<16xf32>,
      tpu.vector_store %arg9[%swap3A_498, %swap3A_499], %mul3A_496 {strides = array<i32>} : memref<4x2048xf32, #tpu.memory_space<vmem>>, vector<16xf32>,
      %mul3A_501 = arith.constant 128 : i32
      %mul3A_502 = arith.muli %scan3A_423, %mul3A_501 : i32
      %add3A_503 = arith.constant 96 : i32
      %add3A_504 = arith.addi %mul3A_502, %add3A_503 : i32
      %get3A_505 = arith.constant 0 : i32
      %get3A_506 = arith.index_cast %get3A_505 : i32 to index
      %get3A_507 = arith.index_cast %add3A_504 : i32 to index
      %get3A_508 = tpu.vector_load %arg9[%get3A_506, %get3A_507] {strides = array<i32>} : memref<4x2048xf32, #tpu.memory_space<vmem>>, vector<16xf32>,
      %mul3A_509 = arith.mulf %get3A_508, %get3A_101 : vector<16xf32>
      %swap3A_510 = arith.constant 0 : i32
      %swap3A_511 = arith.index_cast %swap3A_510 : i32 to index
      %swap3A_512 = arith.index_cast %add3A_504 : i32 to index
      %swap3A_513 = tpu.vector_load %arg9[%swap3A_511, %swap3A_512] {strides = array<i32>} : memref<4x2048xf32, #tpu.memory_space<vmem>>, vector<16xf32>,
      tpu.vector_store %arg9[%swap3A_511, %swap3A_512], %mul3A_509 {strides = array<i32>} : memref<4x2048xf32, #tpu.memory_space<vmem>>, vector<16xf32>,
      %mul3A_514 = arith.constant 128 : i32
      %mul3A_515 = arith.muli %scan3A_423, %mul3A_514 : i32
      %add3A_516 = arith.constant 112 : i32
      %add3A_517 = arith.addi %mul3A_515, %add3A_516 : i32
      %get3A_518 = arith.constant 0 : i32
      %get3A_519 = arith.index_cast %get3A_518 : i32 to index
      %get3A_520 = arith.index_cast %add3A_517 : i32 to index
      %get3A_521 = tpu.vector_load %arg9[%get3A_519, %get3A_520] {strides = array<i32>} : memref<4x2048xf32, #tpu.memory_space<vmem>>, vector<16xf32>,
      %mul3A_522 = arith.mulf %get3A_521, %get3A_103 : vector<16xf32>
      %swap3A_523 = arith.constant 0 : i32
      %swap3A_524 = arith.index_cast %swap3A_523 : i32 to index
      %swap3A_525 = arith.index_cast %add3A_517 : i32 to index
      %swap3A_526 = tpu.vector_load %arg9[%swap3A_524, %swap3A_525] {strides = array<i32>} : memref<4x2048xf32, #tpu.memory_space<vmem>>, vector<16xf32>,
      tpu.vector_store %arg9[%swap3A_524, %swap3A_525], %mul3A_522 {strides = array<i32>} : memref<4x2048xf32, #tpu.memory_space<vmem>>, vector<16xf32>,
    }
    %scan3A_109 = arith.constant 16 : i32
    %mul3A_110 = arith.constant 4 : i32
    %mul3A_111 = arith.muli %add3A, %mul3A_110 : i32
    %add3A_112 = arith.constant 0 : i32
    %add3A_113 = arith.addi %add3A_112, %mul3A_111 : i32
    %add3A_114 = arith.constant 0 : i32
    %add3A_115 = arith.addi %add3A_113, %add3A_114 : i32
    %mul3A_116 = arith.constant 1024 : i32
    %mul3A_117 = arith.muli %add3A_115, %mul3A_116 : i32
    %dma_start3A_118 = arith.constant 0 : i32
    %dma_start3A_119 = arith.constant 0 : i32
    %dma_start3A_120 = tpu.memref_slice %arg9[%dma_start3A_118, %dma_start3A_119] : memref<4x2048xf32, #tpu.memory_space<vmem>> -> memref<1x1024xf32, #tpu.memory_space<vmem>>
    %dma_start3A_121 = tpu.memref_squeeze %dma_start3A_120 : memref<1x1024xf32, #tpu.memory_space<vmem>> -> memref<1024xf32, #tpu.memory_space<vmem>>
    %dma_start3A_122 = tpu.memref_slice %arg5[%mul3A_117] : memref<262144xf32, #tpu.memory_space<hbm>> -> memref<1024xf32, #tpu.memory_space<hbm>>
    %dma_start3A_123 = tpu.memref_slice %arg5[%mul3A_117] : memref<262144xf32, #tpu.memory_space<hbm>> -> memref<1024xf32, #tpu.memory_space<hbm>>
    %dma_start3A_124 = arith.constant 0 : i32
    %dma_start3A_125 = tpu.memref_slice %arg9[%dma_start3A_118, %dma_start3A_124] : memref<4x2048xf32, #tpu.memory_space<vmem>> -> memref<1x1024xf32, #tpu.memory_space<vmem>>
    %dma_start3A_126 = tpu.memref_squeeze %dma_start3A_125 : memref<1x1024xf32, #tpu.memory_space<vmem>> -> memref<1024xf32, #tpu.memory_space<vmem>>
    tpu.enqueue_dma source(%dma_start3A_126 : memref<1024xf32, #tpu.memory_space<vmem>>) target(%dma_start3A_123 : memref<1024xf32, #tpu.memory_space<hbm>>) target_semaphore(%arg11 : memref<!tpu.dma_semaphore, #tpu.memory_space<semaphore_mem>>)
    %mul3A_127 = arith.constant 4 : i32
    %mul3A_128 = arith.muli %add3A, %mul3A_127 : i32
    %add3A_129 = arith.constant 128 : i32
    %add3A_130 = arith.addi %add3A_129, %mul3A_128 : i32
    %add3A_131 = arith.constant 0 : i32
    %add3A_132 = arith.addi %add3A_130, %add3A_131 : i32
    %mul3A_133 = arith.constant 1024 : i32
    %mul3A_134 = arith.muli %add3A_132, %mul3A_133 : i32
    %dma_start3A_135 = arith.constant 0 : i32
    %dma_start3A_136 = arith.constant 1024 : i32
    %dma_start3A_137 = tpu.memref_slice %arg9[%dma_start3A_135, %dma_start3A_136] : memref<4x2048xf32, #tpu.memory_space<vmem>> -> memref<1x1024xf32, #tpu.memory_space<vmem>>
    %dma_start3A_138 = tpu.memref_squeeze %dma_start3A_137 : memref<1x1024xf32, #tpu.memory_space<vmem>> -> memref<1024xf32, #tpu.memory_space<vmem>>
    %dma_start3A_139 = tpu.memref_slice %arg5[%mul3A_134] : memref<262144xf32, #tpu.memory_space<hbm>> -> memref<1024xf32, #tpu.memory_space<hbm>>
    %dma_start3A_140 = tpu.memref_slice %arg5[%mul3A_134] : memref<262144xf32, #tpu.memory_space<hbm>> -> memref<1024xf32, #tpu.memory_space<hbm>>
    %dma_start3A_141 = arith.constant 1024 : i32
    %dma_start3A_142 = tpu.memref_slice %arg9[%dma_start3A_135, %dma_start3A_141] : memref<4x2048xf32, #tpu.memory_space<vmem>> -> memref<1x1024xf32, #tpu.memory_space<vmem>>
    %dma_start3A_143 = tpu.memref_squeeze %dma_start3A_142 : memref<1x1024xf32, #tpu.memory_space<vmem>> -> memref<1024xf32, #tpu.memory_space<vmem>>
    tpu.enqueue_dma source(%dma_start3A_143 : memref<1024xf32, #tpu.memory_space<vmem>>) target(%dma_start3A_140 : memref<1024xf32, #tpu.memory_space<hbm>>) target_semaphore(%arg11 : memref<!tpu.dma_semaphore, #tpu.memory_space<semaphore_mem>>)
    %dma_wait3A_144 = arith.constant 1 : i32
    %dma_wait3A_145 = arith.constant 1 : i32
    %dma_wait3A_146 = arith.constant 1 : i32
    %dma_wait3A_147 = arith.constant 0 : i32
    %dma_wait3A_148 = tpu.memref_slice %arg9[%dma_wait3A_145, %dma_wait3A_147] : memref<4x2048xf32, #tpu.memory_space<vmem>> -> memref<1x2048xf32, #tpu.memory_space<vmem>>
    %dma_wait3A_149 = tpu.memref_squeeze %dma_wait3A_148 : memref<1x2048xf32, #tpu.memory_space<vmem>> -> memref<2048xf32, #tpu.memory_space<vmem>>
    %dma_wait3A_150 = arith.constant 0 : i32
    %dma_wait3A_151 = tpu.memref_slice %arg8[%dma_wait3A_144, %dma_wait3A_150] : memref<4x2048xi32, #tpu.memory_space<vmem>> -> memref<1x2048xi32, #tpu.memory_space<vmem>>
    %dma_wait3A_152 = tpu.memref_squeeze %dma_wait3A_151 : memref<1x2048xi32, #tpu.memory_space<vmem>> -> memref<2048xi32, #tpu.memory_space<vmem>>
    %dma_wait3A_153 = arith.constant 0 : i32
    %dma_wait3A_154 = tpu.memref_slice %arg4[%dma_wait3A_153] : memref<16777216xf32, #tpu.memory_space<hbm>> -> memref<16777216xf32, #tpu.memory_space<hbm>>
    %dma_wait3A_155 = tpu.memref_slice %arg10[%dma_wait3A_146] : memref<4x!tpu.dma_semaphore, #tpu.memory_space<semaphore_mem>> -> memref<1x!tpu.dma_semaphore, #tpu.memory_space<semaphore_mem>>
    %dma_wait3A_156 = tpu.memref_squeeze %dma_wait3A_155 : memref<1x!tpu.dma_semaphore, #tpu.memory_space<semaphore_mem>> -> memref<!tpu.dma_semaphore, #tpu.memory_space<semaphore_mem>>
    tpu.wait_indirect_dma semaphore(%dma_wait3A_156 : memref<!tpu.dma_semaphore, #tpu.memory_space<semaphore_mem>>) src(%dma_wait3A_154 : memref<16777216xf32, #tpu.memory_space<hbm>>) dst(%dma_wait3A_149 : memref<2048xf32, #tpu.memory_space<vmem>>)
    %get3A_157 = arith.constant 128 : index
    %get3A_158 = tpu.vector_load %arg7[%get3A_157] {strides = array<i32>} : memref<512xf32, #tpu.memory_space<vmem>>, vector<16xf32>,
    %get3A_159 = arith.constant 144 : index
    %get3A_160 = tpu.vector_load %arg7[%get3A_159] {strides = array<i32>} : memref<512xf32, #tpu.memory_space<vmem>>, vector<16xf32>,
    %get3A_161 = arith.constant 160 : index
    %get3A_162 = tpu.vector_load %arg7[%get3A_161] {strides = array<i32>} : memref<512xf32, #tpu.memory_space<vmem>>, vector<16xf32>,
    %get3A_163 = arith.constant 176 : index
    %get3A_164 = tpu.vector_load %arg7[%get3A_163] {strides = array<i32>} : memref<512xf32, #tpu.memory_space<vmem>>, vector<16xf32>,
    %get3A_165 = arith.constant 192 : index
    %get3A_166 = tpu.vector_load %arg7[%get3A_165] {strides = array<i32>} : memref<512xf32, #tpu.memory_space<vmem>>, vector<16xf32>,
    %get3A_167 = arith.constant 208 : index
    %get3A_168 = tpu.vector_load %arg7[%get3A_167] {strides = array<i32>} : memref<512xf32, #tpu.memory_space<vmem>>, vector<16xf32>,
    %get3A_169 = arith.constant 224 : index
    %get3A_170 = tpu.vector_load %arg7[%get3A_169] {strides = array<i32>} : memref<512xf32, #tpu.memory_space<vmem>>, vector<16xf32>,
    %get3A_171 = arith.constant 240 : index
    %get3A_172 = tpu.vector_load %arg7[%get3A_171] {strides = array<i32>} : memref<512xf32, #tpu.memory_space<vmem>>, vector<16xf32>,
    %scan3A_173 = arith.constant 0 : i32
    %scan3A_174 = arith.constant 0 : i32
    %scan3A_175 = arith.constant 16 : i32
    %scan3A_176 = arith.addi %scan3A_174, %scan3A_175 : i32
    %scan3A_177 = arith.constant 1 : i32
    scf.for %scan3A_423 = %scan3A_174 to %scan3A_176 step %scan3A_177  : i32 {
      %mul3A_424 = arith.constant 128 : i32
      %mul3A_425 = arith.muli %scan3A_423, %mul3A_424 : i32
      %add3A_426 = arith.constant 0 : i32
      %add3A_427 = arith.addi %mul3A_425, %add3A_426 : i32
      %get3A_428 = arith.constant 1 : i32
      %get3A_429 = arith.index_cast %get3A_428 : i32 to index
      %get3A_430 = arith.index_cast %add3A_427 : i32 to index
      %get3A_431 = tpu.vector_load %arg9[%get3A_429, %get3A_430] {strides = array<i32>} : memref<4x2048xf32, #tpu.memory_space<vmem>>, vector<16xf32>,
      %mul3A_432 = arith.mulf %get3A_431, %get3A_158 : vector<16xf32>
      %swap3A = arith.constant 1 : i32
      %swap3A_433 = arith.index_cast %swap3A : i32 to index
      %swap3A_434 = arith.index_cast %add3A_427 : i32 to index
      %swap3A_435 = tpu.vector_load %arg9[%swap3A_433, %swap3A_434] {strides = array<i32>} : memref<4x2048xf32, #tpu.memory_space<vmem>>, vector<16xf32>,
      tpu.vector_store %arg9[%swap3A_433, %swap3A_434], %mul3A_432 {strides = array<i32>} : memref<4x2048xf32, #tpu.memory_space<vmem>>, vector<16xf32>,
      %mul3A_436 = arith.constant 128 : i32
      %mul3A_437 = arith.muli %scan3A_423, %mul3A_436 : i32
      %add3A_438 = arith.constant 16 : i32
      %add3A_439 = arith.addi %mul3A_437, %add3A_438 : i32
      %get3A_440 = arith.constant 1 : i32
      %get3A_441 = arith.index_cast %get3A_440 : i32 to index
      %get3A_442 = arith.index_cast %add3A_439 : i32 to index
      %get3A_443 = tpu.vector_load %arg9[%get3A_441, %get3A_442] {strides = array<i32>} : memref<4x2048xf32, #tpu.memory_space<vmem>>, vector<16xf32>,
      %mul3A_444 = arith.mulf %get3A_443, %get3A_160 : vector<16xf32>
      %swap3A_445 = arith.constant 1 : i32
      %swap3A_446 = arith.index_cast %swap3A_445 : i32 to index
      %swap3A_447 = arith.index_cast %add3A_439 : i32 to index
      %swap3A_448 = tpu.vector_load %arg9[%swap3A_446, %swap3A_447] {strides = array<i32>} : memref<4x2048xf32, #tpu.memory_space<vmem>>, vector<16xf32>,
      tpu.vector_store %arg9[%swap3A_446, %swap3A_447], %mul3A_444 {strides = array<i32>} : memref<4x2048xf32, #tpu.memory_space<vmem>>, vector<16xf32>,
      %mul3A_449 = arith.constant 128 : i32
      %mul3A_450 = arith.muli %scan3A_423, %mul3A_449 : i32
      %add3A_451 = arith.constant 32 : i32
      %add3A_452 = arith.addi %mul3A_450, %add3A_451 : i32
      %get3A_453 = arith.constant 1 : i32
      %get3A_454 = arith.index_cast %get3A_453 : i32 to index
      %get3A_455 = arith.index_cast %add3A_452 : i32 to index
      %get3A_456 = tpu.vector_load %arg9[%get3A_454, %get3A_455] {strides = array<i32>} : memref<4x2048xf32, #tpu.memory_space<vmem>>, vector<16xf32>,
      %mul3A_457 = arith.mulf %get3A_456, %get3A_162 : vector<16xf32>
      %swap3A_458 = arith.constant 1 : i32
      %swap3A_459 = arith.index_cast %swap3A_458 : i32 to index
      %swap3A_460 = arith.index_cast %add3A_452 : i32 to index
      %swap3A_461 = tpu.vector_load %arg9[%swap3A_459, %swap3A_460] {strides = array<i32>} : memref<4x2048xf32, #tpu.memory_space<vmem>>, vector<16xf32>,
      tpu.vector_store %arg9[%swap3A_459, %swap3A_460], %mul3A_457 {strides = array<i32>} : memref<4x2048xf32, #tpu.memory_space<vmem>>, vector<16xf32>,
      %mul3A_462 = arith.constant 128 : i32
      %mul3A_463 = arith.muli %scan3A_423, %mul3A_462 : i32
      %add3A_464 = arith.constant 48 : i32
      %add3A_465 = arith.addi %mul3A_463, %add3A_464 : i32
      %get3A_466 = arith.constant 1 : i32
      %get3A_467 = arith.index_cast %get3A_466 : i32 to index
      %get3A_468 = arith.index_cast %add3A_465 : i32 to index
      %get3A_469 = tpu.vector_load %arg9[%get3A_467, %get3A_468] {strides = array<i32>} : memref<4x2048xf32, #tpu.memory_space<vmem>>, vector<16xf32>,
      %mul3A_470 = arith.mulf %get3A_469, %get3A_164 : vector<16xf32>
      %swap3A_471 = arith.constant 1 : i32
      %swap3A_472 = arith.index_cast %swap3A_471 : i32 to index
      %swap3A_473 = arith.index_cast %add3A_465 : i32 to index
      %swap3A_474 = tpu.vector_load %arg9[%swap3A_472, %swap3A_473] {strides = array<i32>} : memref<4x2048xf32, #tpu.memory_space<vmem>>, vector<16xf32>,
      tpu.vector_store %arg9[%swap3A_472, %swap3A_473], %mul3A_470 {strides = array<i32>} : memref<4x2048xf32, #tpu.memory_space<vmem>>, vector<16xf32>,
      %mul3A_475 = arith.constant 128 : i32
      %mul3A_476 = arith.muli %scan3A_423, %mul3A_475 : i32
      %add3A_477 = arith.constant 64 : i32
      %add3A_478 = arith.addi %mul3A_476, %add3A_477 : i32
      %get3A_479 = arith.constant 1 : i32
      %get3A_480 = arith.index_cast %get3A_479 : i32 to index
      %get3A_481 = arith.index_cast %add3A_478 : i32 to index
      %get3A_482 = tpu.vector_load %arg9[%get3A_480, %get3A_481] {strides = array<i32>} : memref<4x2048xf32, #tpu.memory_space<vmem>>, vector<16xf32>,
      %mul3A_483 = arith.mulf %get3A_482, %get3A_166 : vector<16xf32>
      %swap3A_484 = arith.constant 1 : i32
      %swap3A_485 = arith.index_cast %swap3A_484 : i32 to index
      %swap3A_486 = arith.index_cast %add3A_478 : i32 to index
      %swap3A_487 = tpu.vector_load %arg9[%swap3A_485, %swap3A_486] {strides = array<i32>} : memref<4x2048xf32, #tpu.memory_space<vmem>>, vector<16xf32>,
      tpu.vector_store %arg9[%swap3A_485, %swap3A_486], %mul3A_483 {strides = array<i32>} : memref<4x2048xf32, #tpu.memory_space<vmem>>, vector<16xf32>,
      %mul3A_488 = arith.constant 128 : i32
      %mul3A_489 = arith.muli %scan3A_423, %mul3A_488 : i32
      %add3A_490 = arith.constant 80 : i32
      %add3A_491 = arith.addi %mul3A_489, %add3A_490 : i32
      %get3A_492 = arith.constant 1 : i32
      %get3A_493 = arith.index_cast %get3A_492 : i32 to index
      %get3A_494 = arith.index_cast %add3A_491 : i32 to index
      %get3A_495 = tpu.vector_load %arg9[%get3A_493, %get3A_494] {strides = array<i32>} : memref<4x2048xf32, #tpu.memory_space<vmem>>, vector<16xf32>,
      %mul3A_496 = arith.mulf %get3A_495, %get3A_168 : vector<16xf32>
      %swap3A_497 = arith.constant 1 : i32
      %swap3A_498 = arith.index_cast %swap3A_497 : i32 to index
      %swap3A_499 = arith.index_cast %add3A_491 : i32 to index
      %swap3A_500 = tpu.vector_load %arg9[%swap3A_498, %swap3A_499] {strides = array<i32>} : memref<4x2048xf32, #tpu.memory_space<vmem>>, vector<16xf32>,
      tpu.vector_store %arg9[%swap3A_498, %swap3A_499], %mul3A_496 {strides = array<i32>} : memref<4x2048xf32, #tpu.memory_space<vmem>>, vector<16xf32>,
      %mul3A_501 = arith.constant 128 : i32
      %mul3A_502 = arith.muli %scan3A_423, %mul3A_501 : i32
      %add3A_503 = arith.constant 96 : i32
      %add3A_504 = arith.addi %mul3A_502, %add3A_503 : i32
      %get3A_505 = arith.constant 1 : i32
      %get3A_506 = arith.index_cast %get3A_505 : i32 to index
      %get3A_507 = arith.index_cast %add3A_504 : i32 to index
      %get3A_508 = tpu.vector_load %arg9[%get3A_506, %get3A_507] {strides = array<i32>} : memref<4x2048xf32, #tpu.memory_space<vmem>>, vector<16xf32>,
      %mul3A_509 = arith.mulf %get3A_508, %get3A_170 : vector<16xf32>
      %swap3A_510 = arith.constant 1 : i32
      %swap3A_511 = arith.index_cast %swap3A_510 : i32 to index
      %swap3A_512 = arith.index_cast %add3A_504 : i32 to index
      %swap3A_513 = tpu.vector_load %arg9[%swap3A_511, %swap3A_512] {strides = array<i32>} : memref<4x2048xf32, #tpu.memory_space<vmem>>, vector<16xf32>,
      tpu.vector_store %arg9[%swap3A_511, %swap3A_512], %mul3A_509 {strides = array<i32>} : memref<4x2048xf32, #tpu.memory_space<vmem>>, vector<16xf32>,
      %mul3A_514 = arith.constant 128 : i32
      %mul3A_515 = arith.muli %scan3A_423, %mul3A_514 : i32
      %add3A_516 = arith.constant 112 : i32
      %add3A_517 = arith.addi %mul3A_515, %add3A_516 : i32
      %get3A_518 = arith.constant 1 : i32
      %get3A_519 = arith.index_cast %get3A_518 : i32 to index
      %get3A_520 = arith.index_cast %add3A_517 : i32 to index
      %get3A_521 = tpu.vector_load %arg9[%get3A_519, %get3A_520] {strides = array<i32>} : memref<4x2048xf32, #tpu.memory_space<vmem>>, vector<16xf32>,
      %mul3A_522 = arith.mulf %get3A_521, %get3A_172 : vector<16xf32>
      %swap3A_523 = arith.constant 1 : i32
      %swap3A_524 = arith.index_cast %swap3A_523 : i32 to index
      %swap3A_525 = arith.index_cast %add3A_517 : i32 to index
      %swap3A_526 = tpu.vector_load %arg9[%swap3A_524, %swap3A_525] {strides = array<i32>} : memref<4x2048xf32, #tpu.memory_space<vmem>>, vector<16xf32>,
      tpu.vector_store %arg9[%swap3A_524, %swap3A_525], %mul3A_522 {strides = array<i32>} : memref<4x2048xf32, #tpu.memory_space<vmem>>, vector<16xf32>,
    }
    %scan3A_178 = arith.constant 16 : i32
    %mul3A_179 = arith.constant 4 : i32
    %mul3A_180 = arith.muli %add3A, %mul3A_179 : i32
    %add3A_181 = arith.constant 0 : i32
    %add3A_182 = arith.addi %add3A_181, %mul3A_180 : i32
    %add3A_183 = arith.constant 1 : i32
    %add3A_184 = arith.addi %add3A_182, %add3A_183 : i32
    %mul3A_185 = arith.constant 1024 : i32
    %mul3A_186 = arith.muli %add3A_184, %mul3A_185 : i32
    %dma_start3A_187 = arith.constant 1 : i32
    %dma_start3A_188 = arith.constant 0 : i32
    %dma_start3A_189 = tpu.memref_slice %arg9[%dma_start3A_187, %dma_start3A_188] : memref<4x2048xf32, #tpu.memory_space<vmem>> -> memref<1x1024xf32, #tpu.memory_space<vmem>>
    %dma_start3A_190 = tpu.memref_squeeze %dma_start3A_189 : memref<1x1024xf32, #tpu.memory_space<vmem>> -> memref<1024xf32, #tpu.memory_space<vmem>>
    %dma_start3A_191 = tpu.memref_slice %arg5[%mul3A_186] : memref<262144xf32, #tpu.memory_space<hbm>> -> memref<1024xf32, #tpu.memory_space<hbm>>
    %dma_start3A_192 = tpu.memref_slice %arg5[%mul3A_186] : memref<262144xf32, #tpu.memory_space<hbm>> -> memref<1024xf32, #tpu.memory_space<hbm>>
    %dma_start3A_193 = arith.constant 0 : i32
    %dma_start3A_194 = tpu.memref_slice %arg9[%dma_start3A_187, %dma_start3A_193] : memref<4x2048xf32, #tpu.memory_space<vmem>> -> memref<1x1024xf32, #tpu.memory_space<vmem>>
    %dma_start3A_195 = tpu.memref_squeeze %dma_start3A_194 : memref<1x1024xf32, #tpu.memory_space<vmem>> -> memref<1024xf32, #tpu.memory_space<vmem>>
    tpu.enqueue_dma source(%dma_start3A_195 : memref<1024xf32, #tpu.memory_space<vmem>>) target(%dma_start3A_192 : memref<1024xf32, #tpu.memory_space<hbm>>) target_semaphore(%arg11 : memref<!tpu.dma_semaphore, #tpu.memory_space<semaphore_mem>>)
    %mul3A_196 = arith.constant 4 : i32
    %mul3A_197 = arith.muli %add3A, %mul3A_196 : i32
    %add3A_198 = arith.constant 128 : i32
    %add3A_199 = arith.addi %add3A_198, %mul3A_197 : i32
    %add3A_200 = arith.constant 1 : i32
    %add3A_201 = arith.addi %add3A_199, %add3A_200 : i32
    %mul3A_202 = arith.constant 1024 : i32
    %mul3A_203 = arith.muli %add3A_201, %mul3A_202 : i32
    %dma_start3A_204 = arith.constant 1 : i32
    %dma_start3A_205 = arith.constant 1024 : i32
    %dma_start3A_206 = tpu.memref_slice %arg9[%dma_start3A_204, %dma_start3A_205] : memref<4x2048xf32, #tpu.memory_space<vmem>> -> memref<1x1024xf32, #tpu.memory_space<vmem>>
    %dma_start3A_207 = tpu.memref_squeeze %dma_start3A_206 : memref<1x1024xf32, #tpu.memory_space<vmem>> -> memref<1024xf32, #tpu.memory_space<vmem>>
    %dma_start3A_208 = tpu.memref_slice %arg5[%mul3A_203] : memref<262144xf32, #tpu.memory_space<hbm>> -> memref<1024xf32, #tpu.memory_space<hbm>>
    %dma_start3A_209 = tpu.memref_slice %arg5[%mul3A_203] : memref<262144xf32, #tpu.memory_space<hbm>> -> memref<1024xf32, #tpu.memory_space<hbm>>
    %dma_start3A_210 = arith.constant 1024 : i32
    %dma_start3A_211 = tpu.memref_slice %arg9[%dma_start3A_204, %dma_start3A_210] : memref<4x2048xf32, #tpu.memory_space<vmem>> -> memref<1x1024xf32, #tpu.memory_space<vmem>>
    %dma_start3A_212 = tpu.memref_squeeze %dma_start3A_211 : memref<1x1024xf32, #tpu.memory_space<vmem>> -> memref<1024xf32, #tpu.memory_space<vmem>>
    tpu.enqueue_dma source(%dma_start3A_212 : memref<1024xf32, #tpu.memory_space<vmem>>) target(%dma_start3A_209 : memref<1024xf32, #tpu.memory_space<hbm>>) target_semaphore(%arg11 : memref<!tpu.dma_semaphore, #tpu.memory_space<semaphore_mem>>)
    %dma_wait3A_213 = arith.constant 2 : i32
    %dma_wait3A_214 = arith.constant 2 : i32
    %dma_wait3A_215 = arith.constant 2 : i32
    %dma_wait3A_216 = arith.constant 0 : i32
    %dma_wait3A_217 = tpu.memref_slice %arg9[%dma_wait3A_214, %dma_wait3A_216] : memref<4x2048xf32, #tpu.memory_space<vmem>> -> memref<1x2048xf32, #tpu.memory_space<vmem>>
    %dma_wait3A_218 = tpu.memref_squeeze %dma_wait3A_217 : memref<1x2048xf32, #tpu.memory_space<vmem>> -> memref<2048xf32, #tpu.memory_space<vmem>>
    %dma_wait3A_219 = arith.constant 0 : i32
    %dma_wait3A_220 = tpu.memref_slice %arg8[%dma_wait3A_213, %dma_wait3A_219] : memref<4x2048xi32, #tpu.memory_space<vmem>> -> memref<1x2048xi32, #tpu.memory_space<vmem>>
    %dma_wait3A_221 = tpu.memref_squeeze %dma_wait3A_220 : memref<1x2048xi32, #tpu.memory_space<vmem>> -> memref<2048xi32, #tpu.memory_space<vmem>>
    %dma_wait3A_222 = arith.constant 0 : i32
    %dma_wait3A_223 = tpu.memref_slice %arg4[%dma_wait3A_222] : memref<16777216xf32, #tpu.memory_space<hbm>> -> memref<16777216xf32, #tpu.memory_space<hbm>>
    %dma_wait3A_224 = tpu.memref_slice %arg10[%dma_wait3A_215] : memref<4x!tpu.dma_semaphore, #tpu.memory_space<semaphore_mem>> -> memref<1x!tpu.dma_semaphore, #tpu.memory_space<semaphore_mem>>
    %dma_wait3A_225 = tpu.memref_squeeze %dma_wait3A_224 : memref<1x!tpu.dma_semaphore, #tpu.memory_space<semaphore_mem>> -> memref<!tpu.dma_semaphore, #tpu.memory_space<semaphore_mem>>
    tpu.wait_indirect_dma semaphore(%dma_wait3A_225 : memref<!tpu.dma_semaphore, #tpu.memory_space<semaphore_mem>>) src(%dma_wait3A_223 : memref<16777216xf32, #tpu.memory_space<hbm>>) dst(%dma_wait3A_218 : memref<2048xf32, #tpu.memory_space<vmem>>)
    %get3A_226 = arith.constant 256 : index
    %get3A_227 = tpu.vector_load %arg7[%get3A_226] {strides = array<i32>} : memref<512xf32, #tpu.memory_space<vmem>>, vector<16xf32>,
    %get3A_228 = arith.constant 272 : index
    %get3A_229 = tpu.vector_load %arg7[%get3A_228] {strides = array<i32>} : memref<512xf32, #tpu.memory_space<vmem>>, vector<16xf32>,
    %get3A_230 = arith.constant 288 : index
    %get3A_231 = tpu.vector_load %arg7[%get3A_230] {strides = array<i32>} : memref<512xf32, #tpu.memory_space<vmem>>, vector<16xf32>,
    %get3A_232 = arith.constant 304 : index
    %get3A_233 = tpu.vector_load %arg7[%get3A_232] {strides = array<i32>} : memref<512xf32, #tpu.memory_space<vmem>>, vector<16xf32>,
    %get3A_234 = arith.constant 320 : index
    %get3A_235 = tpu.vector_load %arg7[%get3A_234] {strides = array<i32>} : memref<512xf32, #tpu.memory_space<vmem>>, vector<16xf32>,
    %get3A_236 = arith.constant 336 : index
    %get3A_237 = tpu.vector_load %arg7[%get3A_236] {strides = array<i32>} : memref<512xf32, #tpu.memory_space<vmem>>, vector<16xf32>,
    %get3A_238 = arith.constant 352 : index
    %get3A_239 = tpu.vector_load %arg7[%get3A_238] {strides = array<i32>} : memref<512xf32, #tpu.memory_space<vmem>>, vector<16xf32>,
    %get3A_240 = arith.constant 368 : index
    %get3A_241 = tpu.vector_load %arg7[%get3A_240] {strides = array<i32>} : memref<512xf32, #tpu.memory_space<vmem>>, vector<16xf32>,
    %scan3A_242 = arith.constant 0 : i32
    %scan3A_243 = arith.constant 0 : i32
    %scan3A_244 = arith.constant 16 : i32
    %scan3A_245 = arith.addi %scan3A_243, %scan3A_244 : i32
    %scan3A_246 = arith.constant 1 : i32
    scf.for %scan3A_423 = %scan3A_243 to %scan3A_245 step %scan3A_246  : i32 {
      %mul3A_424 = arith.constant 128 : i32
      %mul3A_425 = arith.muli %scan3A_423, %mul3A_424 : i32
      %add3A_426 = arith.constant 0 : i32
      %add3A_427 = arith.addi %mul3A_425, %add3A_426 : i32
      %get3A_428 = arith.constant 2 : i32
      %get3A_429 = arith.index_cast %get3A_428 : i32 to index
      %get3A_430 = arith.index_cast %add3A_427 : i32 to index
      %get3A_431 = tpu.vector_load %arg9[%get3A_429, %get3A_430] {strides = array<i32>} : memref<4x2048xf32, #tpu.memory_space<vmem>>, vector<16xf32>,
      %mul3A_432 = arith.mulf %get3A_431, %get3A_227 : vector<16xf32>
      %swap3A = arith.constant 2 : i32
      %swap3A_433 = arith.index_cast %swap3A : i32 to index
      %swap3A_434 = arith.index_cast %add3A_427 : i32 to index
      %swap3A_435 = tpu.vector_load %arg9[%swap3A_433, %swap3A_434] {strides = array<i32>} : memref<4x2048xf32, #tpu.memory_space<vmem>>, vector<16xf32>,
      tpu.vector_store %arg9[%swap3A_433, %swap3A_434], %mul3A_432 {strides = array<i32>} : memref<4x2048xf32, #tpu.memory_space<vmem>>, vector<16xf32>,
      %mul3A_436 = arith.constant 128 : i32
      %mul3A_437 = arith.muli %scan3A_423, %mul3A_436 : i32
      %add3A_438 = arith.constant 16 : i32
      %add3A_439 = arith.addi %mul3A_437, %add3A_438 : i32
      %get3A_440 = arith.constant 2 : i32
      %get3A_441 = arith.index_cast %get3A_440 : i32 to index
      %get3A_442 = arith.index_cast %add3A_439 : i32 to index
      %get3A_443 = tpu.vector_load %arg9[%get3A_441, %get3A_442] {strides = array<i32>} : memref<4x2048xf32, #tpu.memory_space<vmem>>, vector<16xf32>,
      %mul3A_444 = arith.mulf %get3A_443, %get3A_229 : vector<16xf32>
      %swap3A_445 = arith.constant 2 : i32
      %swap3A_446 = arith.index_cast %swap3A_445 : i32 to index
      %swap3A_447 = arith.index_cast %add3A_439 : i32 to index
      %swap3A_448 = tpu.vector_load %arg9[%swap3A_446, %swap3A_447] {strides = array<i32>} : memref<4x2048xf32, #tpu.memory_space<vmem>>, vector<16xf32>,
      tpu.vector_store %arg9[%swap3A_446, %swap3A_447], %mul3A_444 {strides = array<i32>} : memref<4x2048xf32, #tpu.memory_space<vmem>>, vector<16xf32>,
      %mul3A_449 = arith.constant 128 : i32
      %mul3A_450 = arith.muli %scan3A_423, %mul3A_449 : i32
      %add3A_451 = arith.constant 32 : i32
      %add3A_452 = arith.addi %mul3A_450, %add3A_451 : i32
      %get3A_453 = arith.constant 2 : i32
      %get3A_454 = arith.index_cast %get3A_453 : i32 to index
      %get3A_455 = arith.index_cast %add3A_452 : i32 to index
      %get3A_456 = tpu.vector_load %arg9[%get3A_454, %get3A_455] {strides = array<i32>} : memref<4x2048xf32, #tpu.memory_space<vmem>>, vector<16xf32>,
      %mul3A_457 = arith.mulf %get3A_456, %get3A_231 : vector<16xf32>
      %swap3A_458 = arith.constant 2 : i32
      %swap3A_459 = arith.index_cast %swap3A_458 : i32 to index
      %swap3A_460 = arith.index_cast %add3A_452 : i32 to index
      %swap3A_461 = tpu.vector_load %arg9[%swap3A_459, %swap3A_460] {strides = array<i32>} : memref<4x2048xf32, #tpu.memory_space<vmem>>, vector<16xf32>,
      tpu.vector_store %arg9[%swap3A_459, %swap3A_460], %mul3A_457 {strides = array<i32>} : memref<4x2048xf32, #tpu.memory_space<vmem>>, vector<16xf32>,
      %mul3A_462 = arith.constant 128 : i32
      %mul3A_463 = arith.muli %scan3A_423, %mul3A_462 : i32
      %add3A_464 = arith.constant 48 : i32
      %add3A_465 = arith.addi %mul3A_463, %add3A_464 : i32
      %get3A_466 = arith.constant 2 : i32
      %get3A_467 = arith.index_cast %get3A_466 : i32 to index
      %get3A_468 = arith.index_cast %add3A_465 : i32 to index
      %get3A_469 = tpu.vector_load %arg9[%get3A_467, %get3A_468] {strides = array<i32>} : memref<4x2048xf32, #tpu.memory_space<vmem>>, vector<16xf32>,
      %mul3A_470 = arith.mulf %get3A_469, %get3A_233 : vector<16xf32>
      %swap3A_471 = arith.constant 2 : i32
      %swap3A_472 = arith.index_cast %swap3A_471 : i32 to index
      %swap3A_473 = arith.index_cast %add3A_465 : i32 to index
      %swap3A_474 = tpu.vector_load %arg9[%swap3A_472, %swap3A_473] {strides = array<i32>} : memref<4x2048xf32, #tpu.memory_space<vmem>>, vector<16xf32>,
      tpu.vector_store %arg9[%swap3A_472, %swap3A_473], %mul3A_470 {strides = array<i32>} : memref<4x2048xf32, #tpu.memory_space<vmem>>, vector<16xf32>,
      %mul3A_475 = arith.constant 128 : i32
      %mul3A_476 = arith.muli %scan3A_423, %mul3A_475 : i32
      %add3A_477 = arith.constant 64 : i32
      %add3A_478 = arith.addi %mul3A_476, %add3A_477 : i32
      %get3A_479 = arith.constant 2 : i32
      %get3A_480 = arith.index_cast %get3A_479 : i32 to index
      %get3A_481 = arith.index_cast %add3A_478 : i32 to index
      %get3A_482 = tpu.vector_load %arg9[%get3A_480, %get3A_481] {strides = array<i32>} : memref<4x2048xf32, #tpu.memory_space<vmem>>, vector<16xf32>,
      %mul3A_483 = arith.mulf %get3A_482, %get3A_235 : vector<16xf32>
      %swap3A_484 = arith.constant 2 : i32
      %swap3A_485 = arith.index_cast %swap3A_484 : i32 to index
      %swap3A_486 = arith.index_cast %add3A_478 : i32 to index
      %swap3A_487 = tpu.vector_load %arg9[%swap3A_485, %swap3A_486] {strides = array<i32>} : memref<4x2048xf32, #tpu.memory_space<vmem>>, vector<16xf32>,
      tpu.vector_store %arg9[%swap3A_485, %swap3A_486], %mul3A_483 {strides = array<i32>} : memref<4x2048xf32, #tpu.memory_space<vmem>>, vector<16xf32>,
      %mul3A_488 = arith.constant 128 : i32
      %mul3A_489 = arith.muli %scan3A_423, %mul3A_488 : i32
      %add3A_490 = arith.constant 80 : i32
      %add3A_491 = arith.addi %mul3A_489, %add3A_490 : i32
      %get3A_492 = arith.constant 2 : i32
      %get3A_493 = arith.index_cast %get3A_492 : i32 to index
      %get3A_494 = arith.index_cast %add3A_491 : i32 to index
      %get3A_495 = tpu.vector_load %arg9[%get3A_493, %get3A_494] {strides = array<i32>} : memref<4x2048xf32, #tpu.memory_space<vmem>>, vector<16xf32>,
      %mul3A_496 = arith.mulf %get3A_495, %get3A_237 : vector<16xf32>
      %swap3A_497 = arith.constant 2 : i32
      %swap3A_498 = arith.index_cast %swap3A_497 : i32 to index
      %swap3A_499 = arith.index_cast %add3A_491 : i32 to index
      %swap3A_500 = tpu.vector_load %arg9[%swap3A_498, %swap3A_499] {strides = array<i32>} : memref<4x2048xf32, #tpu.memory_space<vmem>>, vector<16xf32>,
      tpu.vector_store %arg9[%swap3A_498, %swap3A_499], %mul3A_496 {strides = array<i32>} : memref<4x2048xf32, #tpu.memory_space<vmem>>, vector<16xf32>,
      %mul3A_501 = arith.constant 128 : i32
      %mul3A_502 = arith.muli %scan3A_423, %mul3A_501 : i32
      %add3A_503 = arith.constant 96 : i32
      %add3A_504 = arith.addi %mul3A_502, %add3A_503 : i32
      %get3A_505 = arith.constant 2 : i32
      %get3A_506 = arith.index_cast %get3A_505 : i32 to index
      %get3A_507 = arith.index_cast %add3A_504 : i32 to index
      %get3A_508 = tpu.vector_load %arg9[%get3A_506, %get3A_507] {strides = array<i32>} : memref<4x2048xf32, #tpu.memory_space<vmem>>, vector<16xf32>,
      %mul3A_509 = arith.mulf %get3A_508, %get3A_239 : vector<16xf32>
      %swap3A_510 = arith.constant 2 : i32
      %swap3A_511 = arith.index_cast %swap3A_510 : i32 to index
      %swap3A_512 = arith.index_cast %add3A_504 : i32 to index
      %swap3A_513 = tpu.vector_load %arg9[%swap3A_511, %swap3A_512] {strides = array<i32>} : memref<4x2048xf32, #tpu.memory_space<vmem>>, vector<16xf32>,
      tpu.vector_store %arg9[%swap3A_511, %swap3A_512], %mul3A_509 {strides = array<i32>} : memref<4x2048xf32, #tpu.memory_space<vmem>>, vector<16xf32>,
      %mul3A_514 = arith.constant 128 : i32
      %mul3A_515 = arith.muli %scan3A_423, %mul3A_514 : i32
      %add3A_516 = arith.constant 112 : i32
      %add3A_517 = arith.addi %mul3A_515, %add3A_516 : i32
      %get3A_518 = arith.constant 2 : i32
      %get3A_519 = arith.index_cast %get3A_518 : i32 to index
      %get3A_520 = arith.index_cast %add3A_517 : i32 to index
      %get3A_521 = tpu.vector_load %arg9[%get3A_519, %get3A_520] {strides = array<i32>} : memref<4x2048xf32, #tpu.memory_space<vmem>>, vector<16xf32>,
      %mul3A_522 = arith.mulf %get3A_521, %get3A_241 : vector<16xf32>
      %swap3A_523 = arith.constant 2 : i32
      %swap3A_524 = arith.index_cast %swap3A_523 : i32 to index
      %swap3A_525 = arith.index_cast %add3A_517 : i32 to index
      %swap3A_526 = tpu.vector_load %arg9[%swap3A_524, %swap3A_525] {strides = array<i32>} : memref<4x2048xf32, #tpu.memory_space<vmem>>, vector<16xf32>,
      tpu.vector_store %arg9[%swap3A_524, %swap3A_525], %mul3A_522 {strides = array<i32>} : memref<4x2048xf32, #tpu.memory_space<vmem>>, vector<16xf32>,
    }
    %scan3A_247 = arith.constant 16 : i32
    %mul3A_248 = arith.constant 4 : i32
    %mul3A_249 = arith.muli %add3A, %mul3A_248 : i32
    %add3A_250 = arith.constant 0 : i32
    %add3A_251 = arith.addi %add3A_250, %mul3A_249 : i32
    %add3A_252 = arith.constant 2 : i32
    %add3A_253 = arith.addi %add3A_251, %add3A_252 : i32
    %mul3A_254 = arith.constant 1024 : i32
    %mul3A_255 = arith.muli %add3A_253, %mul3A_254 : i32
    %dma_start3A_256 = arith.constant 2 : i32
    %dma_start3A_257 = arith.constant 0 : i32
    %dma_start3A_258 = tpu.memref_slice %arg9[%dma_start3A_256, %dma_start3A_257] : memref<4x2048xf32, #tpu.memory_space<vmem>> -> memref<1x1024xf32, #tpu.memory_space<vmem>>
    %dma_start3A_259 = tpu.memref_squeeze %dma_start3A_258 : memref<1x1024xf32, #tpu.memory_space<vmem>> -> memref<1024xf32, #tpu.memory_space<vmem>>
    %dma_start3A_260 = tpu.memref_slice %arg5[%mul3A_255] : memref<262144xf32, #tpu.memory_space<hbm>> -> memref<1024xf32, #tpu.memory_space<hbm>>
    %dma_start3A_261 = tpu.memref_slice %arg5[%mul3A_255] : memref<262144xf32, #tpu.memory_space<hbm>> -> memref<1024xf32, #tpu.memory_space<hbm>>
    %dma_start3A_262 = arith.constant 0 : i32
    %dma_start3A_263 = tpu.memref_slice %arg9[%dma_start3A_256, %dma_start3A_262] : memref<4x2048xf32, #tpu.memory_space<vmem>> -> memref<1x1024xf32, #tpu.memory_space<vmem>>
    %dma_start3A_264 = tpu.memref_squeeze %dma_start3A_263 : memref<1x1024xf32, #tpu.memory_space<vmem>> -> memref<1024xf32, #tpu.memory_space<vmem>>
    tpu.enqueue_dma source(%dma_start3A_264 : memref<1024xf32, #tpu.memory_space<vmem>>) target(%dma_start3A_261 : memref<1024xf32, #tpu.memory_space<hbm>>) target_semaphore(%arg11 : memref<!tpu.dma_semaphore, #tpu.memory_space<semaphore_mem>>)
    %mul3A_265 = arith.constant 4 : i32
    %mul3A_266 = arith.muli %add3A, %mul3A_265 : i32
    %add3A_267 = arith.constant 128 : i32
    %add3A_268 = arith.addi %add3A_267, %mul3A_266 : i32
    %add3A_269 = arith.constant 2 : i32
    %add3A_270 = arith.addi %add3A_268, %add3A_269 : i32
    %mul3A_271 = arith.constant 1024 : i32
    %mul3A_272 = arith.muli %add3A_270, %mul3A_271 : i32
    %dma_start3A_273 = arith.constant 2 : i32
    %dma_start3A_274 = arith.constant 1024 : i32
    %dma_start3A_275 = tpu.memref_slice %arg9[%dma_start3A_273, %dma_start3A_274] : memref<4x2048xf32, #tpu.memory_space<vmem>> -> memref<1x1024xf32, #tpu.memory_space<vmem>>
    %dma_start3A_276 = tpu.memref_squeeze %dma_start3A_275 : memref<1x1024xf32, #tpu.memory_space<vmem>> -> memref<1024xf32, #tpu.memory_space<vmem>>
    %dma_start3A_277 = tpu.memref_slice %arg5[%mul3A_272] : memref<262144xf32, #tpu.memory_space<hbm>> -> memref<1024xf32, #tpu.memory_space<hbm>>
    %dma_start3A_278 = tpu.memref_slice %arg5[%mul3A_272] : memref<262144xf32, #tpu.memory_space<hbm>> -> memref<1024xf32, #tpu.memory_space<hbm>>
    %dma_start3A_279 = arith.constant 1024 : i32
    %dma_start3A_280 = tpu.memref_slice %arg9[%dma_start3A_273, %dma_start3A_279] : memref<4x2048xf32, #tpu.memory_space<vmem>> -> memref<1x1024xf32, #tpu.memory_space<vmem>>
    %dma_start3A_281 = tpu.memref_squeeze %dma_start3A_280 : memref<1x1024xf32, #tpu.memory_space<vmem>> -> memref<1024xf32, #tpu.memory_space<vmem>>
    tpu.enqueue_dma source(%dma_start3A_281 : memref<1024xf32, #tpu.memory_space<vmem>>) target(%dma_start3A_278 : memref<1024xf32, #tpu.memory_space<hbm>>) target_semaphore(%arg11 : memref<!tpu.dma_semaphore, #tpu.memory_space<semaphore_mem>>)
    %dma_wait3A_282 = arith.constant 3 : i32
    %dma_wait3A_283 = arith.constant 3 : i32
    %dma_wait3A_284 = arith.constant 3 : i32
    %dma_wait3A_285 = arith.constant 0 : i32
    %dma_wait3A_286 = tpu.memref_slice %arg9[%dma_wait3A_283, %dma_wait3A_285] : memref<4x2048xf32, #tpu.memory_space<vmem>> -> memref<1x2048xf32, #tpu.memory_space<vmem>>
    %dma_wait3A_287 = tpu.memref_squeeze %dma_wait3A_286 : memref<1x2048xf32, #tpu.memory_space<vmem>> -> memref<2048xf32, #tpu.memory_space<vmem>>
    %dma_wait3A_288 = arith.constant 0 : i32
    %dma_wait3A_289 = tpu.memref_slice %arg8[%dma_wait3A_282, %dma_wait3A_288] : memref<4x2048xi32, #tpu.memory_space<vmem>> -> memref<1x2048xi32, #tpu.memory_space<vmem>>
    %dma_wait3A_290 = tpu.memref_squeeze %dma_wait3A_289 : memref<1x2048xi32, #tpu.memory_space<vmem>> -> memref<2048xi32, #tpu.memory_space<vmem>>
    %dma_wait3A_291 = arith.constant 0 : i32
    %dma_wait3A_292 = tpu.memref_slice %arg4[%dma_wait3A_291] : memref<16777216xf32, #tpu.memory_space<hbm>> -> memref<16777216xf32, #tpu.memory_space<hbm>>
    %dma_wait3A_293 = tpu.memref_slice %arg10[%dma_wait3A_284] : memref<4x!tpu.dma_semaphore, #tpu.memory_space<semaphore_mem>> -> memref<1x!tpu.dma_semaphore, #tpu.memory_space<semaphore_mem>>
    %dma_wait3A_294 = tpu.memref_squeeze %dma_wait3A_293 : memref<1x!tpu.dma_semaphore, #tpu.memory_space<semaphore_mem>> -> memref<!tpu.dma_semaphore, #tpu.memory_space<semaphore_mem>>
    tpu.wait_indirect_dma semaphore(%dma_wait3A_294 : memref<!tpu.dma_semaphore, #tpu.memory_space<semaphore_mem>>) src(%dma_wait3A_292 : memref<16777216xf32, #tpu.memory_space<hbm>>) dst(%dma_wait3A_287 : memref<2048xf32, #tpu.memory_space<vmem>>)
    %get3A_295 = arith.constant 384 : index
    %get3A_296 = tpu.vector_load %arg7[%get3A_295] {strides = array<i32>} : memref<512xf32, #tpu.memory_space<vmem>>, vector<16xf32>,
    %get3A_297 = arith.constant 400 : index
    %get3A_298 = tpu.vector_load %arg7[%get3A_297] {strides = array<i32>} : memref<512xf32, #tpu.memory_space<vmem>>, vector<16xf32>,
    %get3A_299 = arith.constant 416 : index
    %get3A_300 = tpu.vector_load %arg7[%get3A_299] {strides = array<i32>} : memref<512xf32, #tpu.memory_space<vmem>>, vector<16xf32>,
    %get3A_301 = arith.constant 432 : index
    %get3A_302 = tpu.vector_load %arg7[%get3A_301] {strides = array<i32>} : memref<512xf32, #tpu.memory_space<vmem>>, vector<16xf32>,
    %get3A_303 = arith.constant 448 : index
    %get3A_304 = tpu.vector_load %arg7[%get3A_303] {strides = array<i32>} : memref<512xf32, #tpu.memory_space<vmem>>, vector<16xf32>,
    %get3A_305 = arith.constant 464 : index
    %get3A_306 = tpu.vector_load %arg7[%get3A_305] {strides = array<i32>} : memref<512xf32, #tpu.memory_space<vmem>>, vector<16xf32>,
    %get3A_307 = arith.constant 480 : index
    %get3A_308 = tpu.vector_load %arg7[%get3A_307] {strides = array<i32>} : memref<512xf32, #tpu.memory_space<vmem>>, vector<16xf32>,
    %get3A_309 = arith.constant 496 : index
    %get3A_310 = tpu.vector_load %arg7[%get3A_309] {strides = array<i32>} : memref<512xf32, #tpu.memory_space<vmem>>, vector<16xf32>,
    %scan3A_311 = arith.constant 0 : i32
    %scan3A_312 = arith.constant 0 : i32
    %scan3A_313 = arith.constant 16 : i32
    %scan3A_314 = arith.addi %scan3A_312, %scan3A_313 : i32
    %scan3A_315 = arith.constant 1 : i32
    scf.for %scan3A_423 = %scan3A_312 to %scan3A_314 step %scan3A_315  : i32 {
      %mul3A_424 = arith.constant 128 : i32
      %mul3A_425 = arith.muli %scan3A_423, %mul3A_424 : i32
      %add3A_426 = arith.constant 0 : i32
      %add3A_427 = arith.addi %mul3A_425, %add3A_426 : i32
      %get3A_428 = arith.constant 3 : i32
      %get3A_429 = arith.index_cast %get3A_428 : i32 to index
      %get3A_430 = arith.index_cast %add3A_427 : i32 to index
      %get3A_431 = tpu.vector_load %arg9[%get3A_429, %get3A_430] {strides = array<i32>} : memref<4x2048xf32, #tpu.memory_space<vmem>>, vector<16xf32>,
      %mul3A_432 = arith.mulf %get3A_431, %get3A_296 : vector<16xf32>
      %swap3A = arith.constant 3 : i32
      %swap3A_433 = arith.index_cast %swap3A : i32 to index
      %swap3A_434 = arith.index_cast %add3A_427 : i32 to index
      %swap3A_435 = tpu.vector_load %arg9[%swap3A_433, %swap3A_434] {strides = array<i32>} : memref<4x2048xf32, #tpu.memory_space<vmem>>, vector<16xf32>,
      tpu.vector_store %arg9[%swap3A_433, %swap3A_434], %mul3A_432 {strides = array<i32>} : memref<4x2048xf32, #tpu.memory_space<vmem>>, vector<16xf32>,
      %mul3A_436 = arith.constant 128 : i32
      %mul3A_437 = arith.muli %scan3A_423, %mul3A_436 : i32
      %add3A_438 = arith.constant 16 : i32
      %add3A_439 = arith.addi %mul3A_437, %add3A_438 : i32
      %get3A_440 = arith.constant 3 : i32
      %get3A_441 = arith.index_cast %get3A_440 : i32 to index
      %get3A_442 = arith.index_cast %add3A_439 : i32 to index
      %get3A_443 = tpu.vector_load %arg9[%get3A_441, %get3A_442] {strides = array<i32>} : memref<4x2048xf32, #tpu.memory_space<vmem>>, vector<16xf32>,
      %mul3A_444 = arith.mulf %get3A_443, %get3A_298 : vector<16xf32>
      %swap3A_445 = arith.constant 3 : i32
      %swap3A_446 = arith.index_cast %swap3A_445 : i32 to index
      %swap3A_447 = arith.index_cast %add3A_439 : i32 to index
      %swap3A_448 = tpu.vector_load %arg9[%swap3A_446, %swap3A_447] {strides = array<i32>} : memref<4x2048xf32, #tpu.memory_space<vmem>>, vector<16xf32>,
      tpu.vector_store %arg9[%swap3A_446, %swap3A_447], %mul3A_444 {strides = array<i32>} : memref<4x2048xf32, #tpu.memory_space<vmem>>, vector<16xf32>,
      %mul3A_449 = arith.constant 128 : i32
      %mul3A_450 = arith.muli %scan3A_423, %mul3A_449 : i32
      %add3A_451 = arith.constant 32 : i32
      %add3A_452 = arith.addi %mul3A_450, %add3A_451 : i32
      %get3A_453 = arith.constant 3 : i32
      %get3A_454 = arith.index_cast %get3A_453 : i32 to index
      %get3A_455 = arith.index_cast %add3A_452 : i32 to index
      %get3A_456 = tpu.vector_load %arg9[%get3A_454, %get3A_455] {strides = array<i32>} : memref<4x2048xf32, #tpu.memory_space<vmem>>, vector<16xf32>,
      %mul3A_457 = arith.mulf %get3A_456, %get3A_300 : vector<16xf32>
      %swap3A_458 = arith.constant 3 : i32
      %swap3A_459 = arith.index_cast %swap3A_458 : i32 to index
      %swap3A_460 = arith.index_cast %add3A_452 : i32 to index
      %swap3A_461 = tpu.vector_load %arg9[%swap3A_459, %swap3A_460] {strides = array<i32>} : memref<4x2048xf32, #tpu.memory_space<vmem>>, vector<16xf32>,
      tpu.vector_store %arg9[%swap3A_459, %swap3A_460], %mul3A_457 {strides = array<i32>} : memref<4x2048xf32, #tpu.memory_space<vmem>>, vector<16xf32>,
      %mul3A_462 = arith.constant 128 : i32
      %mul3A_463 = arith.muli %scan3A_423, %mul3A_462 : i32
      %add3A_464 = arith.constant 48 : i32
      %add3A_465 = arith.addi %mul3A_463, %add3A_464 : i32
      %get3A_466 = arith.constant 3 : i32
      %get3A_467 = arith.index_cast %get3A_466 : i32 to index
      %get3A_468 = arith.index_cast %add3A_465 : i32 to index
      %get3A_469 = tpu.vector_load %arg9[%get3A_467, %get3A_468] {strides = array<i32>} : memref<4x2048xf32, #tpu.memory_space<vmem>>, vector<16xf32>,
      %mul3A_470 = arith.mulf %get3A_469, %get3A_302 : vector<16xf32>
      %swap3A_471 = arith.constant 3 : i32
      %swap3A_472 = arith.index_cast %swap3A_471 : i32 to index
      %swap3A_473 = arith.index_cast %add3A_465 : i32 to index
      %swap3A_474 = tpu.vector_load %arg9[%swap3A_472, %swap3A_473] {strides = array<i32>} : memref<4x2048xf32, #tpu.memory_space<vmem>>, vector<16xf32>,
      tpu.vector_store %arg9[%swap3A_472, %swap3A_473], %mul3A_470 {strides = array<i32>} : memref<4x2048xf32, #tpu.memory_space<vmem>>, vector<16xf32>,
      %mul3A_475 = arith.constant 128 : i32
      %mul3A_476 = arith.muli %scan3A_423, %mul3A_475 : i32
      %add3A_477 = arith.constant 64 : i32
      %add3A_478 = arith.addi %mul3A_476, %add3A_477 : i32
      %get3A_479 = arith.constant 3 : i32
      %get3A_480 = arith.index_cast %get3A_479 : i32 to index
      %get3A_481 = arith.index_cast %add3A_478 : i32 to index
      %get3A_482 = tpu.vector_load %arg9[%get3A_480, %get3A_481] {strides = array<i32>} : memref<4x2048xf32, #tpu.memory_space<vmem>>, vector<16xf32>,
      %mul3A_483 = arith.mulf %get3A_482, %get3A_304 : vector<16xf32>
      %swap3A_484 = arith.constant 3 : i32
      %swap3A_485 = arith.index_cast %swap3A_484 : i32 to index
      %swap3A_486 = arith.index_cast %add3A_478 : i32 to index
      %swap3A_487 = tpu.vector_load %arg9[%swap3A_485, %swap3A_486] {strides = array<i32>} : memref<4x2048xf32, #tpu.memory_space<vmem>>, vector<16xf32>,
      tpu.vector_store %arg9[%swap3A_485, %swap3A_486], %mul3A_483 {strides = array<i32>} : memref<4x2048xf32, #tpu.memory_space<vmem>>, vector<16xf32>,
      %mul3A_488 = arith.constant 128 : i32
      %mul3A_489 = arith.muli %scan3A_423, %mul3A_488 : i32
      %add3A_490 = arith.constant 80 : i32
      %add3A_491 = arith.addi %mul3A_489, %add3A_490 : i32
      %get3A_492 = arith.constant 3 : i32
      %get3A_493 = arith.index_cast %get3A_492 : i32 to index
      %get3A_494 = arith.index_cast %add3A_491 : i32 to index
      %get3A_495 = tpu.vector_load %arg9[%get3A_493, %get3A_494] {strides = array<i32>} : memref<4x2048xf32, #tpu.memory_space<vmem>>, vector<16xf32>,
      %mul3A_496 = arith.mulf %get3A_495, %get3A_306 : vector<16xf32>
      %swap3A_497 = arith.constant 3 : i32
      %swap3A_498 = arith.index_cast %swap3A_497 : i32 to index
      %swap3A_499 = arith.index_cast %add3A_491 : i32 to index
      %swap3A_500 = tpu.vector_load %arg9[%swap3A_498, %swap3A_499] {strides = array<i32>} : memref<4x2048xf32, #tpu.memory_space<vmem>>, vector<16xf32>,
      tpu.vector_store %arg9[%swap3A_498, %swap3A_499], %mul3A_496 {strides = array<i32>} : memref<4x2048xf32, #tpu.memory_space<vmem>>, vector<16xf32>,
      %mul3A_501 = arith.constant 128 : i32
      %mul3A_502 = arith.muli %scan3A_423, %mul3A_501 : i32
      %add3A_503 = arith.constant 96 : i32
      %add3A_504 = arith.addi %mul3A_502, %add3A_503 : i32
      %get3A_505 = arith.constant 3 : i32
      %get3A_506 = arith.index_cast %get3A_505 : i32 to index
      %get3A_507 = arith.index_cast %add3A_504 : i32 to index
      %get3A_508 = tpu.vector_load %arg9[%get3A_506, %get3A_507] {strides = array<i32>} : memref<4x2048xf32, #tpu.memory_space<vmem>>, vector<16xf32>,
      %mul3A_509 = arith.mulf %get3A_508, %get3A_308 : vector<16xf32>
      %swap3A_510 = arith.constant 3 : i32
      %swap3A_511 = arith.index_cast %swap3A_510 : i32 to index
      %swap3A_512 = arith.index_cast %add3A_504 : i32 to index
      %swap3A_513 = tpu.vector_load %arg9[%swap3A_511, %swap3A_512] {strides = array<i32>} : memref<4x2048xf32, #tpu.memory_space<vmem>>, vector<16xf32>,
      tpu.vector_store %arg9[%swap3A_511, %swap3A_512], %mul3A_509 {strides = array<i32>} : memref<4x2048xf32, #tpu.memory_space<vmem>>, vector<16xf32>,
      %mul3A_514 = arith.constant 128 : i32
      %mul3A_515 = arith.muli %scan3A_423, %mul3A_514 : i32
      %add3A_516 = arith.constant 112 : i32
      %add3A_517 = arith.addi %mul3A_515, %add3A_516 : i32
      %get3A_518 = arith.constant 3 : i32
      %get3A_519 = arith.index_cast %get3A_518 : i32 to index
      %get3A_520 = arith.index_cast %add3A_517 : i32 to index
      %get3A_521 = tpu.vector_load %arg9[%get3A_519, %get3A_520] {strides = array<i32>} : memref<4x2048xf32, #tpu.memory_space<vmem>>, vector<16xf32>,
      %mul3A_522 = arith.mulf %get3A_521, %get3A_310 : vector<16xf32>
      %swap3A_523 = arith.constant 3 : i32
      %swap3A_524 = arith.index_cast %swap3A_523 : i32 to index
      %swap3A_525 = arith.index_cast %add3A_517 : i32 to index
      %swap3A_526 = tpu.vector_load %arg9[%swap3A_524, %swap3A_525] {strides = array<i32>} : memref<4x2048xf32, #tpu.memory_space<vmem>>, vector<16xf32>,
      tpu.vector_store %arg9[%swap3A_524, %swap3A_525], %mul3A_522 {strides = array<i32>} : memref<4x2048xf32, #tpu.memory_space<vmem>>, vector<16xf32>,
    }
    %scan3A_316 = arith.constant 16 : i32
    %mul3A_317 = arith.constant 4 : i32
    %mul3A_318 = arith.muli %add3A, %mul3A_317 : i32
    %add3A_319 = arith.constant 0 : i32
    %add3A_320 = arith.addi %add3A_319, %mul3A_318 : i32
    %add3A_321 = arith.constant 3 : i32
    %add3A_322 = arith.addi %add3A_320, %add3A_321 : i32
    %mul3A_323 = arith.constant 1024 : i32
    %mul3A_324 = arith.muli %add3A_322, %mul3A_323 : i32
    %dma_start3A_325 = arith.constant 3 : i32
    %dma_start3A_326 = arith.constant 0 : i32
    %dma_start3A_327 = tpu.memref_slice %arg9[%dma_start3A_325, %dma_start3A_326] : memref<4x2048xf32, #tpu.memory_space<vmem>> -> memref<1x1024xf32, #tpu.memory_space<vmem>>
    %dma_start3A_328 = tpu.memref_squeeze %dma_start3A_327 : memref<1x1024xf32, #tpu.memory_space<vmem>> -> memref<1024xf32, #tpu.memory_space<vmem>>
    %dma_start3A_329 = tpu.memref_slice %arg5[%mul3A_324] : memref<262144xf32, #tpu.memory_space<hbm>> -> memref<1024xf32, #tpu.memory_space<hbm>>
    %dma_start3A_330 = tpu.memref_slice %arg5[%mul3A_324] : memref<262144xf32, #tpu.memory_space<hbm>> -> memref<1024xf32, #tpu.memory_space<hbm>>
    %dma_start3A_331 = arith.constant 0 : i32
    %dma_start3A_332 = tpu.memref_slice %arg9[%dma_start3A_325, %dma_start3A_331] : memref<4x2048xf32, #tpu.memory_space<vmem>> -> memref<1x1024xf32, #tpu.memory_space<vmem>>
    %dma_start3A_333 = tpu.memref_squeeze %dma_start3A_332 : memref<1x1024xf32, #tpu.memory_space<vmem>> -> memref<1024xf32, #tpu.memory_space<vmem>>
    tpu.enqueue_dma source(%dma_start3A_333 : memref<1024xf32, #tpu.memory_space<vmem>>) target(%dma_start3A_330 : memref<1024xf32, #tpu.memory_space<hbm>>) target_semaphore(%arg11 : memref<!tpu.dma_semaphore, #tpu.memory_space<semaphore_mem>>)
    %mul3A_334 = arith.constant 4 : i32
    %mul3A_335 = arith.muli %add3A, %mul3A_334 : i32
    %add3A_336 = arith.constant 128 : i32
    %add3A_337 = arith.addi %add3A_336, %mul3A_335 : i32
    %add3A_338 = arith.constant 3 : i32
    %add3A_339 = arith.addi %add3A_337, %add3A_338 : i32
    %mul3A_340 = arith.constant 1024 : i32
    %mul3A_341 = arith.muli %add3A_339, %mul3A_340 : i32
    %dma_start3A_342 = arith.constant 3 : i32
    %dma_start3A_343 = arith.constant 1024 : i32
    %dma_start3A_344 = tpu.memref_slice %arg9[%dma_start3A_342, %dma_start3A_343] : memref<4x2048xf32, #tpu.memory_space<vmem>> -> memref<1x1024xf32, #tpu.memory_space<vmem>>
    %dma_start3A_345 = tpu.memref_squeeze %dma_start3A_344 : memref<1x1024xf32, #tpu.memory_space<vmem>> -> memref<1024xf32, #tpu.memory_space<vmem>>
    %dma_start3A_346 = tpu.memref_slice %arg5[%mul3A_341] : memref<262144xf32, #tpu.memory_space<hbm>> -> memref<1024xf32, #tpu.memory_space<hbm>>
    %dma_start3A_347 = tpu.memref_slice %arg5[%mul3A_341] : memref<262144xf32, #tpu.memory_space<hbm>> -> memref<1024xf32, #tpu.memory_space<hbm>>
    %dma_start3A_348 = arith.constant 1024 : i32
    %dma_start3A_349 = tpu.memref_slice %arg9[%dma_start3A_342, %dma_start3A_348] : memref<4x2048xf32, #tpu.memory_space<vmem>> -> memref<1x1024xf32, #tpu.memory_space<vmem>>
    %dma_start3A_350 = tpu.memref_squeeze %dma_start3A_349 : memref<1x1024xf32, #tpu.memory_space<vmem>> -> memref<1024xf32, #tpu.memory_space<vmem>>
    tpu.enqueue_dma source(%dma_start3A_350 : memref<1024xf32, #tpu.memory_space<vmem>>) target(%dma_start3A_347 : memref<1024xf32, #tpu.memory_space<hbm>>) target_semaphore(%arg11 : memref<!tpu.dma_semaphore, #tpu.memory_space<semaphore_mem>>)
    %dma_wait3A_351 = arith.constant 0 : i32
    %dma_wait3A_352 = arith.constant 0 : i32
    %dma_wait3A_353 = tpu.memref_slice %arg9[%dma_wait3A_351, %dma_wait3A_352] : memref<4x2048xf32, #tpu.memory_space<vmem>> -> memref<1x1024xf32, #tpu.memory_space<vmem>>
    %dma_wait3A_354 = tpu.memref_squeeze %dma_wait3A_353 : memref<1x1024xf32, #tpu.memory_space<vmem>> -> memref<1024xf32, #tpu.memory_space<vmem>>
    %dma_wait3A_355 = tpu.memref_slice %arg5[%mul3A_117] : memref<262144xf32, #tpu.memory_space<hbm>> -> memref<1024xf32, #tpu.memory_space<hbm>>
    %dma_wait3A_356 = tpu.memref_slice %arg5[%mul3A_117] : memref<262144xf32, #tpu.memory_space<hbm>> -> memref<1024xf32, #tpu.memory_space<hbm>>
    %dma_wait3A_357 = arith.constant 0 : i32
    %dma_wait3A_358 = tpu.memref_slice %arg9[%dma_wait3A_351, %dma_wait3A_357] : memref<4x2048xf32, #tpu.memory_space<vmem>> -> memref<1x1024xf32, #tpu.memory_space<vmem>>
    %dma_wait3A_359 = tpu.memref_squeeze %dma_wait3A_358 : memref<1x1024xf32, #tpu.memory_space<vmem>> -> memref<1024xf32, #tpu.memory_space<vmem>>
    tpu.wait_dma2 semaphore(%arg11 : memref<!tpu.dma_semaphore, #tpu.memory_space<semaphore_mem>>) src(%dma_wait3A_359 : memref<1024xf32, #tpu.memory_space<vmem>>) dst(%dma_wait3A_356 : memref<1024xf32, #tpu.memory_space<hbm>>)
    %dma_wait3A_360 = arith.constant 0 : i32
    %dma_wait3A_361 = arith.constant 1024 : i32
    %dma_wait3A_362 = tpu.memref_slice %arg9[%dma_wait3A_360, %dma_wait3A_361] : memref<4x2048xf32, #tpu.memory_space<vmem>> -> memref<1x1024xf32, #tpu.memory_space<vmem>>
    %dma_wait3A_363 = tpu.memref_squeeze %dma_wait3A_362 : memref<1x1024xf32, #tpu.memory_space<vmem>> -> memref<1024xf32, #tpu.memory_space<vmem>>
    %dma_wait3A_364 = tpu.memref_slice %arg5[%mul3A_134] : memref<262144xf32, #tpu.memory_space<hbm>> -> memref<1024xf32, #tpu.memory_space<hbm>>
    %dma_wait3A_365 = tpu.memref_slice %arg5[%mul3A_134] : memref<262144xf32, #tpu.memory_space<hbm>> -> memref<1024xf32, #tpu.memory_space<hbm>>
    %dma_wait3A_366 = arith.constant 1024 : i32
    %dma_wait3A_367 = tpu.memref_slice %arg9[%dma_wait3A_360, %dma_wait3A_366] : memref<4x2048xf32, #tpu.memory_space<vmem>> -> memref<1x1024xf32, #tpu.memory_space<vmem>>
    %dma_wait3A_368 = tpu.memref_squeeze %dma_wait3A_367 : memref<1x1024xf32, #tpu.memory_space<vmem>> -> memref<1024xf32, #tpu.memory_space<vmem>>
    tpu.wait_dma2 semaphore(%arg11 : memref<!tpu.dma_semaphore, #tpu.memory_space<semaphore_mem>>) src(%dma_wait3A_368 : memref<1024xf32, #tpu.memory_space<vmem>>) dst(%dma_wait3A_365 : memref<1024xf32, #tpu.memory_space<hbm>>)
    %dma_wait3A_369 = arith.constant 1 : i32
    %dma_wait3A_370 = arith.constant 0 : i32
    %dma_wait3A_371 = tpu.memref_slice %arg9[%dma_wait3A_369, %dma_wait3A_370] : memref<4x2048xf32, #tpu.memory_space<vmem>> -> memref<1x1024xf32, #tpu.memory_space<vmem>>
    %dma_wait3A_372 = tpu.memref_squeeze %dma_wait3A_371 : memref<1x1024xf32, #tpu.memory_space<vmem>> -> memref<1024xf32, #tpu.memory_space<vmem>>
    %dma_wait3A_373 = tpu.memref_slice %arg5[%mul3A_186] : memref<262144xf32, #tpu.memory_space<hbm>> -> memref<1024xf32, #tpu.memory_space<hbm>>
    %dma_wait3A_374 = tpu.memref_slice %arg5[%mul3A_186] : memref<262144xf32, #tpu.memory_space<hbm>> -> memref<1024xf32, #tpu.memory_space<hbm>>
    %dma_wait3A_375 = arith.constant 0 : i32
    %dma_wait3A_376 = tpu.memref_slice %arg9[%dma_wait3A_369, %dma_wait3A_375] : memref<4x2048xf32, #tpu.memory_space<vmem>> -> memref<1x1024xf32, #tpu.memory_space<vmem>>
    %dma_wait3A_377 = tpu.memref_squeeze %dma_wait3A_376 : memref<1x1024xf32, #tpu.memory_space<vmem>> -> memref<1024xf32, #tpu.memory_space<vmem>>
    tpu.wait_dma2 semaphore(%arg11 : memref<!tpu.dma_semaphore, #tpu.memory_space<semaphore_mem>>) src(%dma_wait3A_377 : memref<1024xf32, #tpu.memory_space<vmem>>) dst(%dma_wait3A_374 : memref<1024xf32, #tpu.memory_space<hbm>>)
    %dma_wait3A_378 = arith.constant 1 : i32
    %dma_wait3A_379 = arith.constant 1024 : i32
    %dma_wait3A_380 = tpu.memref_slice %arg9[%dma_wait3A_378, %dma_wait3A_379] : memref<4x2048xf32, #tpu.memory_space<vmem>> -> memref<1x1024xf32, #tpu.memory_space<vmem>>
    %dma_wait3A_381 = tpu.memref_squeeze %dma_wait3A_380 : memref<1x1024xf32, #tpu.memory_space<vmem>> -> memref<1024xf32, #tpu.memory_space<vmem>>
    %dma_wait3A_382 = tpu.memref_slice %arg5[%mul3A_203] : memref<262144xf32, #tpu.memory_space<hbm>> -> memref<1024xf32, #tpu.memory_space<hbm>>
    %dma_wait3A_383 = tpu.memref_slice %arg5[%mul3A_203] : memref<262144xf32, #tpu.memory_space<hbm>> -> memref<1024xf32, #tpu.memory_space<hbm>>
    %dma_wait3A_384 = arith.constant 1024 : i32
    %dma_wait3A_385 = tpu.memref_slice %arg9[%dma_wait3A_378, %dma_wait3A_384] : memref<4x2048xf32, #tpu.memory_space<vmem>> -> memref<1x1024xf32, #tpu.memory_space<vmem>>
    %dma_wait3A_386 = tpu.memref_squeeze %dma_wait3A_385 : memref<1x1024xf32, #tpu.memory_space<vmem>> -> memref<1024xf32, #tpu.memory_space<vmem>>
    tpu.wait_dma2 semaphore(%arg11 : memref<!tpu.dma_semaphore, #tpu.memory_space<semaphore_mem>>) src(%dma_wait3A_386 : memref<1024xf32, #tpu.memory_space<vmem>>) dst(%dma_wait3A_383 : memref<1024xf32, #tpu.memory_space<hbm>>)
    %dma_wait3A_387 = arith.constant 2 : i32
    %dma_wait3A_388 = arith.constant 0 : i32
    %dma_wait3A_389 = tpu.memref_slice %arg9[%dma_wait3A_387, %dma_wait3A_388] : memref<4x2048xf32, #tpu.memory_space<vmem>> -> memref<1x1024xf32, #tpu.memory_space<vmem>>
    %dma_wait3A_390 = tpu.memref_squeeze %dma_wait3A_389 : memref<1x1024xf32, #tpu.memory_space<vmem>> -> memref<1024xf32, #tpu.memory_space<vmem>>
    %dma_wait3A_391 = tpu.memref_slice %arg5[%mul3A_255] : memref<262144xf32, #tpu.memory_space<hbm>> -> memref<1024xf32, #tpu.memory_space<hbm>>
    %dma_wait3A_392 = tpu.memref_slice %arg5[%mul3A_255] : memref<262144xf32, #tpu.memory_space<hbm>> -> memref<1024xf32, #tpu.memory_space<hbm>>
    %dma_wait3A_393 = arith.constant 0 : i32
    %dma_wait3A_394 = tpu.memref_slice %arg9[%dma_wait3A_387, %dma_wait3A_393] : memref<4x2048xf32, #tpu.memory_space<vmem>> -> memref<1x1024xf32, #tpu.memory_space<vmem>>
    %dma_wait3A_395 = tpu.memref_squeeze %dma_wait3A_394 : memref<1x1024xf32, #tpu.memory_space<vmem>> -> memref<1024xf32, #tpu.memory_space<vmem>>
    tpu.wait_dma2 semaphore(%arg11 : memref<!tpu.dma_semaphore, #tpu.memory_space<semaphore_mem>>) src(%dma_wait3A_395 : memref<1024xf32, #tpu.memory_space<vmem>>) dst(%dma_wait3A_392 : memref<1024xf32, #tpu.memory_space<hbm>>)
    %dma_wait3A_396 = arith.constant 2 : i32
    %dma_wait3A_397 = arith.constant 1024 : i32
    %dma_wait3A_398 = tpu.memref_slice %arg9[%dma_wait3A_396, %dma_wait3A_397] : memref<4x2048xf32, #tpu.memory_space<vmem>> -> memref<1x1024xf32, #tpu.memory_space<vmem>>
    %dma_wait3A_399 = tpu.memref_squeeze %dma_wait3A_398 : memref<1x1024xf32, #tpu.memory_space<vmem>> -> memref<1024xf32, #tpu.memory_space<vmem>>
    %dma_wait3A_400 = tpu.memref_slice %arg5[%mul3A_272] : memref<262144xf32, #tpu.memory_space<hbm>> -> memref<1024xf32, #tpu.memory_space<hbm>>
    %dma_wait3A_401 = tpu.memref_slice %arg5[%mul3A_272] : memref<262144xf32, #tpu.memory_space<hbm>> -> memref<1024xf32, #tpu.memory_space<hbm>>
    %dma_wait3A_402 = arith.constant 1024 : i32
    %dma_wait3A_403 = tpu.memref_slice %arg9[%dma_wait3A_396, %dma_wait3A_402] : memref<4x2048xf32, #tpu.memory_space<vmem>> -> memref<1x1024xf32, #tpu.memory_space<vmem>>
    %dma_wait3A_404 = tpu.memref_squeeze %dma_wait3A_403 : memref<1x1024xf32, #tpu.memory_space<vmem>> -> memref<1024xf32, #tpu.memory_space<vmem>>
    tpu.wait_dma2 semaphore(%arg11 : memref<!tpu.dma_semaphore, #tpu.memory_space<semaphore_mem>>) src(%dma_wait3A_404 : memref<1024xf32, #tpu.memory_space<vmem>>) dst(%dma_wait3A_401 : memref<1024xf32, #tpu.memory_space<hbm>>)
    %dma_wait3A_405 = arith.constant 3 : i32
    %dma_wait3A_406 = arith.constant 0 : i32
    %dma_wait3A_407 = tpu.memref_slice %arg9[%dma_wait3A_405, %dma_wait3A_406] : memref<4x2048xf32, #tpu.memory_space<vmem>> -> memref<1x1024xf32, #tpu.memory_space<vmem>>
    %dma_wait3A_408 = tpu.memref_squeeze %dma_wait3A_407 : memref<1x1024xf32, #tpu.memory_space<vmem>> -> memref<1024xf32, #tpu.memory_space<vmem>>
    %dma_wait3A_409 = tpu.memref_slice %arg5[%mul3A_324] : memref<262144xf32, #tpu.memory_space<hbm>> -> memref<1024xf32, #tpu.memory_space<hbm>>
    %dma_wait3A_410 = tpu.memref_slice %arg5[%mul3A_324] : memref<262144xf32, #tpu.memory_space<hbm>> -> memref<1024xf32, #tpu.memory_space<hbm>>
    %dma_wait3A_411 = arith.constant 0 : i32
    %dma_wait3A_412 = tpu.memref_slice %arg9[%dma_wait3A_405, %dma_wait3A_411] : memref<4x2048xf32, #tpu.memory_space<vmem>> -> memref<1x1024xf32, #tpu.memory_space<vmem>>
    %dma_wait3A_413 = tpu.memref_squeeze %dma_wait3A_412 : memref<1x1024xf32, #tpu.memory_space<vmem>> -> memref<1024xf32, #tpu.memory_space<vmem>>
    tpu.wait_dma2 semaphore(%arg11 : memref<!tpu.dma_semaphore, #tpu.memory_space<semaphore_mem>>) src(%dma_wait3A_413 : memref<1024xf32, #tpu.memory_space<vmem>>) dst(%dma_wait3A_410 : memref<1024xf32, #tpu.memory_space<hbm>>)
    %dma_wait3A_414 = arith.constant 3 : i32
    %dma_wait3A_415 = arith.constant 1024 : i32
    %dma_wait3A_416 = tpu.memref_slice %arg9[%dma_wait3A_414, %dma_wait3A_415] : memref<4x2048xf32, #tpu.memory_space<vmem>> -> memref<1x1024xf32, #tpu.memory_space<vmem>>
    %dma_wait3A_417 = tpu.memref_squeeze %dma_wait3A_416 : memref<1x1024xf32, #tpu.memory_space<vmem>> -> memref<1024xf32, #tpu.memory_space<vmem>>
    %dma_wait3A_418 = tpu.memref_slice %arg5[%mul3A_341] : memref<262144xf32, #tpu.memory_space<hbm>> -> memref<1024xf32, #tpu.memory_space<hbm>>
    %dma_wait3A_419 = tpu.memref_slice %arg5[%mul3A_341] : memref<262144xf32, #tpu.memory_space<hbm>> -> memref<1024xf32, #tpu.memory_space<hbm>>
    %dma_wait3A_420 = arith.constant 1024 : i32
    %dma_wait3A_421 = tpu.memref_slice %arg9[%dma_wait3A_414, %dma_wait3A_420] : memref<4x2048xf32, #tpu.memory_space<vmem>> -> memref<1x1024xf32, #tpu.memory_space<vmem>>
    %dma_wait3A_422 = tpu.memref_squeeze %dma_wait3A_421 : memref<1x1024xf32, #tpu.memory_space<vmem>> -> memref<1024xf32, #tpu.memory_space<vmem>>
    tpu.wait_dma2 semaphore(%arg11 : memref<!tpu.dma_semaphore, #tpu.memory_space<semaphore_mem>>) src(%dma_wait3A_422 : memref<1024xf32, #tpu.memory_space<vmem>>) dst(%dma_wait3A_419 : memref<1024xf32, #tpu.memory_space<hbm>>)
    return
  }
}

module attributes {stable_mosaic.version = 14 : i64} {
  func.func @_code_body(%arg0: memref<20x16384xf32, #tpu.memory_space<vmem>>, %arg1: memref<16384xi32, #tpu.memory_space<vmem>>, %arg2: memref<16384xf32, #tpu.memory_space<vmem>>) attributes {dimension_semantics = [], scalar_prefetch = 0 : i64, scratch_operands = 0 : i64, tpu.core_type = #tpu.core_type<tc>} {
    %get3A = arith.constant 0 : index
    %get3A_0 = arith.constant 0 : index
    %get3A_1 = vector.load %arg0[%get3A, %get3A_0] : memref<20x16384xf32, #tpu.memory_space<vmem>>, vector<20x16384xf32>
    %iota3A = tpu.iota {dimensions = array<i32: 0>} : vector<20x1xi32>
    %shift_left3A = arith.constant 1 : i32
    %shift_left3A_2 = vector.broadcast %shift_left3A : i32 to vector<20x1xi32>
    %shift_left3A_3 = arith.shli %shift_left3A_2, %iota3A : vector<20x1xi32>
    %gt3A = arith.constant 0.000000e+00 : f32
    %gt3A_4 = vector.broadcast %gt3A : f32 to vector<20x16384xf32>
    %gt3A_5 = arith.cmpf ogt, %get3A_1, %gt3A_4 : vector<20x16384xf32>
    %jit3A = arith.constant 0 : i32
    %broadcast_in_dim3A = vector.shape_cast %shift_left3A_3 : vector<20x1xi32> to vector<20x1xi32>
    %broadcast_in_dim3A_6 = vector.broadcast %broadcast_in_dim3A : vector<20x1xi32> to vector<20x16384xi32>
    %broadcast_in_dim3A_7 = vector.broadcast %jit3A : i32 to vector<20x16384xi32>
    %select_n3A = arith.select %gt3A_5, %broadcast_in_dim3A_6, %broadcast_in_dim3A_7 : vector<20x16384xi1>, vector<20x16384xi32>
    %reduce_sum3A = arith.constant dense<0> : vector<16384xi32>
    %reduce_sum3A_8 = vector.multi_reduction <add>, %select_n3A, %reduce_sum3A [0] : vector<20x16384xi32> to vector<16384xi32>
    %swap3A = arith.constant 0 : index
    %swap3A_9 = vector.load %arg1[%swap3A] : memref<16384xi32, #tpu.memory_space<vmem>>, vector<16384xi32>
    tpu.vector_store %arg1[%swap3A], %reduce_sum3A_8 {strides = array<i32>} : memref<16384xi32, #tpu.memory_space<vmem>>, vector<16384xi32>,
    %abs3A = math.absf %get3A_1 : vector<20x16384xf32>
    %reduce_sum3A_10 = arith.constant dense<0.000000e+00> : vector<16384xf32>
    %reduce_sum3A_11 = vector.multi_reduction <add>, %abs3A, %reduce_sum3A_10 [0] : vector<20x16384xf32> to vector<16384xf32>
    %mul3A = arith.constant 5.000000e-02 : f32
    %mul3A_12 = vector.broadcast %mul3A : f32 to vector<16384xf32>
    %mul3A_13 = arith.mulf %reduce_sum3A_11, %mul3A_12 : vector<16384xf32>
    %swap3A_14 = arith.constant 0 : index
    %swap3A_15 = vector.load %arg2[%swap3A_14] : memref<16384xf32, #tpu.memory_space<vmem>>, vector<16384xf32>
    tpu.vector_store %arg2[%swap3A_14], %mul3A_13 {strides = array<i32>} : memref<16384xf32, #tpu.memory_space<vmem>>, vector<16384xf32>,
    return
  }
}

</mosaic_0001>

<sc_bundles>
// kernel: kernel.4.cloned.1.call-start
scs
__scs_entry_jumppad:
0x0: {  	(pc) =	sbr.rel $0x88, $3  }
0x1: {  	(tag) =	ssettag $0x0;
	lr =	simm.s32 $0x1  }
0x2: {  	[smem:$0x3F9F] =	sst lr;
	_ =	strace $0xD0000000  }
0x3: {  	_ = 	snop  }
0x4: {  	_ = 	snop  }
0x5: {  	_ = 	snop  }
0x6: {  	_ = 	snop  }
0x7: {  	_ = 	snop  }
__scs_overlays_trampoline_lowered:
0x8: {  	[smem:$0x3FAE] =	sst s0  }
0x9: {  	[smem:$0x3FAF] =	sst s1  }
0xa: {  	[smem:$0x3FB0] =	sst s2  }
0xb: {  	[smem:$0x3FB1] =	sst s3  }
0xc: {  	[smem:$0x3FB2] =	sst s4  }
0xd: {  	[smem:$0x3FB3] =	sst s5  }
0xe: {  	[smem:$0x3FB4] =	sst s6  }
0xf: {  	[smem:$0x3FB5] =	sst s7  }
0x10: {  	[smem:$0x3FB6] =	sst s8  }
0x11: {  	[smem:$0x3FB7] =	sst s9;
	s0 =	simm.s32 @!p0 $0x0  }
0x12: {  	s1 =	sld [smem:$0x3F9D];
	s0 =	simm.s32 @p0 $0x1  }
0x13: {  	[smem:$0x3FB8] =	sst s0;
	s0 =	simm.s32 @!p1 $0x0  }
0x14: {  	s2 =	sld [smem:$0x3F9C];
	s0 =	simm.s32 @p1 $0x1  }
0x15: {  	[smem:$0x3FB9] =	sst s0;
	s0 =	simm.s32 @!p2 $0x0  }
0x16: {  	s3 =	sld [smem:$0x3FDB];
	s0 =	simm.s32 @p2 $0x1  }
0x17: {  	s4 =	simm.s32 $0x1BF5;
	[smem:$0x3FBB] =	sst s0  }
0x18: {  	s0 =	sld [smem:$0x3F9E];
	_ =	swait.ge [sflag:s4], $0x0  }
0x19: {  	s7 =	sld [smem:$0x3F9F]  }
0x1a: {  	s8 =	sadd.s32 $0xFFFFE003, lr  }
0x1b: {  	s9 =	sadd.s32 $0xFFFFFEF7, lr;
	s5 =	simm.s32 $0xFFFFFFFF;
	p2 =	slt.u32 s8, $0xFFFFF086  }
0x1c: {  	p1 =	slt.u32 s9, $0xF7A;
	s5 =	simm.s32 @!p2 $0x0  }
0x1d: {  	s5 =	simm.s32 @p1 $0x1;
	p0 =	seq.s32 s7, s2  }
0x1e: {  	s7 =	smul.u32 @!p0 $0xF7A, s2;
	p2 =	seq.s32 @!p0 s5, $0x0  }
0x1f: {  	s9 =	smul.u32 $0xF7A, s1;
	s8 =	simm.s32 @!p0 $0x1BF5;
	p2 =	por !p2, p0  }
0x20: {  	[sflag:s8] =	ssyncset.s32 @!p0 $0xFFFFF086;
	s6 =	sadd.s32 @!p0 s3, s7;
	s7 =	simm.s32 @!p0 $0x108  }
0x21: {  	s3 =	sadd.s32 s3, s9;
	s6 =	sadd.s32 @!p0 $0x88, s6;
	s7 =	simm.s32 @p2 $0x1082  }
0x22: {  	[simem:s7], [sflag:s8] =	dma.local @!p0 [hbm:s6], $0xF7A  }
0x23: {  	s9 =	sor.u32 $0xD0000000, s2;
	s6 =	simm.s32 $0x108;
	_ =	swait.ge @!p0 [sflag:s8], $0x0  }
0x24: {  	s3 =	sadd.s32 $0x88, s3;
	s6 =	simm.s32 @!p1 $0x1082;
	[sflag:s4] =	ssyncset.s32 $0xFFFFF086  }
0x25: {  	[simem:s6], [sflag:s4] =	dma.local [hbm:s3], $0xF7A  }
0x26: {  	[smem:$0x3F9F] =	sst s1;
	(tag) =	ssettag s2;
	_ =	strace s9  }
0x27: {  	s1 =	sld [smem:$0x3FAF]  }
0x28: {  	s2 =	sld [smem:$0x3FB0]  }
0x29: {  	s4 =	sld [smem:$0x3FB2]  }
0x2a: {  	p0 =	seq.s32 s5, $0x0;
	s5 =	sld [smem:$0x3FB3]  }
0x2b: {  	s6 =	sld [smem:$0x3FB4]  }
0x2c: {  	s7 =	sld [smem:$0x3FB5]  }
0x2d: {  	s3 =	simm.s32 $0x108;
	s8 =	sld [smem:$0x3FB6]  }
0x2e: {  	s3 =	simm.s32 @!p0 $0x1082;
	s9 =	sld [smem:$0x3FB7]  }
0x2f: {  	lr =	sadd.s32 s0, s3;
	s0 =	sld [smem:$0x3FAE]  }
0x30: {  	s3 =	sld [smem:$0x3FB1]  }
0x31: {  	[smem:$0x3FBA] =	sst s10  }
0x32: {  	s10 =	sld [smem:$0x3FB8];
	_ =	sdelay $0x3  }
0x33: {  	p0 =	seq.s32 s10, $0x1;
	s10 =	sld [smem:$0x3FBA];
	_ =	sdelay $0x3  }
0x34: {  	[smem:$0x3FBA] =	sst s10  }
0x35: {  	s10 =	sld [smem:$0x3FB9];
	_ =	sdelay $0x3  }
0x36: {  	p1 =	seq.s32 s10, $0x1;
	s10 =	sld [smem:$0x3FBA];
	_ =	sdelay $0x3  }
0x37: {  	[smem:$0x3FBA] =	sst s10  }
0x38: {  	s10 =	sld [smem:$0x3FBB]  }
0x39: {  	_ = 	snop;
	(pc) =	sbr.ind lr, $3  }
0x3a: {  	_ = 	snop  }
0x3b: {  	_ = 	snop  }
0x3c: {  	p2 =	seq.s32 s10, $0x1;
	s10 =	sld [smem:$0x3FBA]  }
0x3d: {  	_ =	shalt  }
0x3e: {  	_ =	shalt  }
0x3f: {  	_ =	shalt  }
0x40: {  	_ =	shalt  }
0x41: {  	_ =	shalt  }
0x42: {  	_ =	shalt  }
0x43: {  	_ =	shalt  }
0x44: {  	_ =	shalt  }
0x45: {  	_ =	shalt  }
0x46: {  	_ =	shalt  }
0x47: {  	_ =	shalt  }
0x48: {  	_ =	shalt  }
0x49: {  	_ =	shalt  }
0x4a: {  	_ =	shalt  }
0x4b: {  	_ =	shalt  }
0x4c: {  	_ =	shalt  }
0x4d: {  	_ =	shalt  }
0x4e: {  	_ =	shalt  }
0x4f: {  	_ =	shalt  }
0x50: {  	_ =	shalt  }
0x51: {  	_ =	shalt  }
0x52: {  	_ =	shalt  }
0x53: {  	_ =	shalt  }
0x54: {  	_ =	shalt  }
0x55: {  	_ =	shalt  }
0x56: {  	_ =	shalt  }
0x57: {  	_ =	shalt  }
0x58: {  	_ =	shalt  }
0x59: {  	_ =	shalt  }
0x5a: {  	_ =	shalt  }
0x5b: {  	_ =	shalt  }
0x5c: {  	_ =	shalt  }
0x5d: {  	_ =	shalt  }
0x5e: {  	_ =	shalt  }
0x5f: {  	_ =	shalt  }
0x60: {  	_ =	shalt  }
0x61: {  	_ =	shalt  }
0x62: {  	_ =	shalt  }
0x63: {  	_ =	shalt  }
0x64: {  	_ =	shalt  }
0x65: {  	_ =	shalt  }
0x66: {  	_ =	shalt  }
0x67: {  	_ =	shalt  }
0x68: {  	_ =	shalt  }
0x69: {  	_ =	shalt  }
0x6a: {  	_ =	shalt  }
0x6b: {  	_ =	shalt  }
0x6c: {  	_ =	shalt  }
0x6d: {  	_ =	shalt  }
0x6e: {  	_ =	shalt  }
0x6f: {  	_ =	shalt  }
0x70: {  	_ =	shalt  }
0x71: {  	_ =	shalt  }
0x72: {  	_ =	shalt  }
0x73: {  	_ =	shalt  }
0x74: {  	_ =	shalt  }
0x75: {  	_ =	shalt  }
0x76: {  	_ =	shalt  }
0x77: {  	_ =	shalt  }
0x78: {  	_ =	shalt  }
0x79: {  	_ =	shalt  }
0x7a: {  	_ =	shalt  }
0x7b: {  	_ =	shalt  }
0x7c: {  	_ =	shalt  }
0x7d: {  	_ =	shalt  }
0x7e: {  	_ =	shalt  }
0x7f: {  	_ =	shalt  }
0x80: {  	_ =	shalt  }
0x81: {  	_ =	shalt  }
0x82: {  	_ =	shalt  }
0x83: {  	_ =	shalt  }
0x84: {  	_ =	shalt  }
0x85: {  	_ =	shalt  }
0x86: {  	_ =	shalt  }
0x87: {  	_ =	shalt  }
.Lfunc_end0:
.L_simem_size_0:
called_computation_lowered:
.L_overlay_start_0:
0x88: {  	s2 =	sld [smem:$0x3FD9]  }
0x89: {  	s3 =	sld [smem:$0x3FFE];
	_ =	sdelay $0x1  }
0x8a: {  	s1 =	srdreg.scid  }
0x8b: {  	s0 =	sand.u32 $0x1, s1  }
0x8c: {  	s17 =	sshll.u32 s0, $0xA;
	s2 =	sadd.s32 s3, s2  }
0x8d: {  	s2 =	sadd.s32 s2, s17  }
0x8e: {  	[smem:$0x3FC6] =	sst s2  }
0x8f: {  	_ = 	snop  }
0x90: {  	s2 =	sld [smem:$0x3FC8]  }
0x91: {  	s18 =	sld [smem:$0x3FD0];
	(tm) =	ssettm $0x1  }
0x92: {  	s4 =	sld [smem:$0x3FFB];
	_ =	sdelay $0x3  }
0x93: {  	_ =	strace s4  }
0x94: {  	s4 =	sld [smem:$0x3FFC];
	_ =	sdelay $0x3  }
0x95: {  	_ =	strace s4  }
0x96: {  	s4 =	sld [smem:$0x3FFD];
	_ =	sdelay $0x3  }
0x97: {  	_ =	strace s4  }
0x98: {  	_ =	strace $0x8FFFFFFF  }
0x99: {  	s19 =	sld [smem:$0x3FDB];
	_ =	sdelay $0x1  }
0x9a: {  	s5 =	simm.s32 $_scs_section_size  }
0x9b: {  	s6 =	simm.s32 $_size__tile_overlayer_lowered;
	s7 =	simm.s32 $_tile_overlayer_lowered  }
0x9c: {  	s22 =	simm.s32 $0x1BFF;
	s21 =	sshll.u32 s7, $0x1;
	s4 =	sadd.s32 s5, s19  }
0x9d: {  	s8 =	simm.s32 $0x0;
	s20 =	sshll.u32 s6, $0x1;
	s6 =	sadd.s32 s21, s4  }
0x9e: {  	[timem:s8], [sflag:s22] =	dma.local [hbm:s6], s20  }
0x9f: {  	_ =	swait.ge [sflag:s22], s20  }
0xa0: {  	s5 =	ssub.s32 $0x0, s20;
	[sflag:s22] =	ssyncset.done $0x0  }
0xa1: {  	[sflag:s22] =	ssyncadd.s32 s5;
	_ =	sdelay $0x1  }
0xa2: {  	s23 =	simm.s32 $0x1B8B  }
0xa3: {  	_ =	swait.ge [sflag:s23], $0x1  }
0xa4: {  	[sflag:s23] =	ssyncset.done $0x0  }
0xa5: {  	s25 =	simm.s32 $0x1B8E;
	s24 =	sld [smem:$0x3FFE];
	[sflag:s23] =	ssyncadd.s32 $0xFFFFFFFF  }
0xa6: {  	s26 =	simm.s32 $execute0_lowered;
	[smem:$0x3FD2] =	sst s25  }
0xa7: {  	s6 =	sshll.u32 s26, $0x1;
	_ =	strace $0x80000046;
	[dreg:$0x1] =	wrdreg $0xFFFFFFFF  }
0xa8: {  	s28 =	simm.s32 $_size_execute0_lowered;
	s4 =	sadd.s32 s4, s6;
	[dreg:$0x0] =	wrdreg $0x0  }
0xa9: {  	s6 =	sshll.u32 s28, $0x1;
	[dreg:$0x2] =	wrdreg s4  }
0xaa: {  	[dreg:$0x3] =	wrdreg s6  }
0xab: {  	[dreg:$0x4] =	wrdreg $0xC0  }
0xac: {  	_ =	task [dreg:s8], $0x5FFFF  }
0xad: {  	[dreg:$0x1] =	wrdreg $0xFFFFFFFF  }
0xae: {  	[dreg:$0x0] =	wrdreg $0x60  }
0xaf: {  	[dreg:$0x2] =	wrdreg s24  }
0xb0: {  	[dreg:$0x3] =	wrdreg s2  }
0xb1: {  	[dreg:$0x4] =	wrdreg s18  }
0xb2: {  	[dreg:$0x5] =	wrdreg $0x9  }
0xb3: {  	_ =	task.clear_ibuf [dreg:s8], $0x6FFFF;
	_ =	strace $0x90000046  }
0xb4: {  	s29 =	simm.s32 $0x9;
	_ =	strace $0x80000048  }
0xb5: {  	_ =	swait.ge [sflag:s29], $0x1  }
0xb6: {  	[sflag:s29] =	ssyncadd.s32 $0xFFFFFFFF  }
0xb7: {  	_ =	strace $0x90000048  }
0xb8: {  	_ =	sfence  }
0xb9: {  	s30 =	sld [smem:$0x0];
	_ =	sdelay $0x2  }
0xba: {  	s31 =	sshll.u32 s1, $0xD;
	s1 =	sshrl.u32 s1, $0x2  }
0xbb: {  	s3 =	sand.u32 $0x4000, s31;
	s1 =	sadd.s32 s1, s30  }
0xbc: {  	s0 =	sor.u32 s3, s0;
	s1 =	sshll.u32 s1, $0x11  }
0xbd: {  	s0 =	sor.u32 s1, s0  }
0xbe: {  	s0 =	sadd.s32 $0x8F2B, s0  }
0xbf: {  	[sflag:s0] =	ssyncadd.remote.s32 $0x1  }
0xc0: {  	_ =	sfence.sel $0xFFFF  }
0xc1: {  	[dreg:$0x0] =	wrdreg $0xFFFFFFFF;
	(pc) =	sbr.abs _section_cstart, $3  }
0xc2: {  	[dreg:$0x1] =	wrdreg $0xFFFFFFFF  }
0xc3: {  	_ =	task.clear_ibuf [dreg:s8], $0x2FFFF;
	_ =	strace $0x9FFFFFFF  }
0xc4: {  	(tm) =	ssettm $0x7FFFFFFF  }
0xc5: {  	_ =	shalt  }
tec
execute0_lowered:
.L_overlay_start_1:
0x0: {  	(tag) =	ssettag $0x1  }
0x1: {  	s0 =	rddreg [dreg:$0x0]  }
0x2: {  	s2 =	rddreg [dreg:$0x1]  }
0x3: {  	s1 =	rddreg [dreg:$0x2];
	s4 =	srdreg.scid  }
0x4: {  	s5 =	stileid.u32;
	s3 =	simm.s32 $0x0;
	s15 =	simm.s32 $0x6  }
0x5: {  	s17 =	simm.s32 $0x800;
	s19 =	simm.s32 $0x2400;
	s21 =	simm.s32 $0x2C00  }
0x6: {  	s23 =	simm.s32 $0x3400;
	s25 =	simm.s32 $0x3C00;
	s26 =	simm.s32 $0x1  }
0x7: {  	s29 =	simm.s32 $0x2;
	s30 =	simm.s32 $0x3000;
	s31 =	simm.s32 $0x3  }
0x8: {  	s16 =	simm.s32 $0x4000;
	s18 =	simm.s32 $0x5;
	s20 =	simm.s32 $0x0  }
0x9: {  	s4 =	sand.u32 $0x1, s4;
	s5 =	sshll.u32 s5, $0x1;
	[smem:$0x7FF] =	sst s3  }
0xa: {  	s5 =	sor.u32 s4, s5;
	_ =	strace $0x80000047;
	s4 =	ssub.s32 $0x2, s4  }
0xb: {  	s6 =	sshll.u32 s5, $0x6;
	s28 =	sshrl.u32 s4, $0x1;
	s5 =	sshll.u32 s5, $0x9  }
0xc: {  	s0 =	sadd.s32 s6, s0;
	s14 =	ssub.s32 s4, s28;
	s5 =	sadd.s32 s1, s5  }
0xd: {  	s1 =	simm.s32 $0x4;
	s4 =	sadd.s32 $0xC00, s0;
	s6 =	sadd.s32 $0x1400, s0  }
0xe: {  	s7 =	sadd.s32 $0x4000, s5;
	s8 =	sadd.s32 $0x80, s5;
	s9 =	sadd.s32 $0x4080, s5  }
0xf: {  	s10 =	sadd.s32 $0x100, s5;
	s11 =	sadd.s32 $0x4100, s5;
	s12 =	sadd.s32 $0x180, s5  }
0x10: {  	s13 =	sadd.s32 $0x4180, s5;
	s14 =	smax.u32 s14, $0x1;
	s0 =	simm.s32 $0x3800  }
.LBB2_1:
0x11: {  	[tilespmem:s3], [sflag:$0x6] =	stream.linear.gather [hbm4b:s4+s3], $0x200, $0x38;
	[tilespmem:$0x4400] =	vst v63  }
0x12: {  	_ =	swait.ge [sflag:s15], $0x200  }
0x13: {  	[sflag:s15] =	ssyncset.done $0x0  }
0x14: {  	s22 =	simm.s32 $0x200;
	[sflag:s15] =	ssyncadd.s32 $0xFFFFFE00  }
0x15: {  	[tilespmem:s22], [sflag:$0x6] =	stream.linear.gather [hbm4b:s6+s3], $0x200, $0x38;
	[tilespmem:$0x4400] =	vst v63  }
0x16: {  	_ =	swait.ge [sflag:s15], $0x200  }
0x17: {  	[sflag:s15] =	ssyncset.done $0x0  }
0x18: {  	s22 =	simm.s32 $0x0;
	[sflag:s15] =	ssyncadd.s32 $0xFFFFFE00  }
0x19: {  	v0 =	vld [tilespmem:s22+$0x0];
	_ =	sdelay $0x4  }
0x1a: {  	v1 =	vshll.u32 v0, $0x3  }
0x1b: {  	v0 =	vand.u32 $0x7F, v0;
	v1 =	vand.u32 $0xFFFFFC00, v1  }
0x1c: {  	v8 =	vor.u32 v0, v1  }
0x1d: {  	[tilespmem:s22+$0x400] =	vst v8;
	v0 =	vadd.s32 $0x800380, v8  }
0x1e: {  	v1 =	vadd.s32 $0x800300, v8;
	[tilespmem:s22+$0xB80] =	vst v0  }
0x1f: {  	v2 =	vadd.s32 $0x800280, v8;
	[tilespmem:s22+$0xB00] =	vst v1  }
0x20: {  	v3 =	vadd.s32 $0x800200, v8;
	v6 =	vor.u32 $0x280, v8;
	v4 =	vadd.s32 $0x800180, v8;
	[tilespmem:s22+$0xA80] =	vst v2  }
0x21: {  	v5 =	vor.u32 $0x300, v8;
	v9 =	vadd.s32 $0x800100, v8;
	v7 =	vor.u32 $0x380, v8;
	[tilespmem:s22+$0xA00] =	vst v3  }
0x22: {  	v1 =	vor.u32 $0x80, v8;
	v0 =	vadd.s32 $0x800000, v8;
	v2 =	vor.u32 $0x100, v8;
	[tilespmem:s22+$0x980] =	vst v4  }
0x23: {  	s24 =	simm.s32 $0x40;
	v3 =	vor.u32 $0x180, v8;
	v4 =	vor.u32 $0x200, v8;
	v8 =	vadd.s32 $0x800080, v8;
	[tilespmem:s22+$0x900] =	vst v9  }
.LBB2_2:
0x24: {  	s28 =	sshra.s32 s24, $0x2;
	p0 =	sne.s32 s24, $0x1C0;
	s24 =	sadd.s32 $0x40, s24;
	[tilespmem:s22+$0x880] =	vst v8  }
0x25: {  	v8 =	vld [tilespmem:s28+$0x0];
	[tilespmem:s22+$0x680] =	vst v6  }
0x26: {  	[tilespmem:s22+$0x780] =	vst v7  }
0x27: {  	[tilespmem:s22+$0x480] =	vst v1  }
0x28: {  	[tilespmem:s22+$0x500] =	vst v2  }
0x29: {  	[tilespmem:s22+$0x700] =	vst v5  }
0x2a: {  	v1 =	vshll.u32 v8, $0x3;
	v2 =	vand.u32 $0x7F, v8;
	[tilespmem:s22+$0x580] =	vst v3  }
0x2b: {  	v1 =	vand.u32 $0xFFFFFC00, v1;
	[tilespmem:s22+$0x800] =	vst v0  }
0x2c: {  	v9 =	vor.u32 v2, v1;
	[tilespmem:s22+$0x600] =	vst v4;
	s22 =	smov.u32 s28  }
0x2d: {  	[tilespmem:s22+$0x400] =	vst v9;
	v1 =	vor.u32 $0x80, v9;
	v0 =	vadd.s32 $0x800000, v9;
	v3 =	vadd.s32 $0x800380, v9  }
0x2e: {  	v2 =	vor.u32 $0x100, v9;
	v6 =	vor.u32 $0x280, v9;
	v4 =	vadd.s32 $0x800300, v9;
	[tilespmem:s22+$0xB80] =	vst v3  }
.Ltmp0:
0x2f: {  	v5 =	vor.u32 $0x300, v9;
	v8 =	vadd.s32 $0x800280, v9;
	v3 =	vor.u32 $0x180, v9;
	[tilespmem:s22+$0xB00] =	vst v4;
	(pc) =	sbr.rel @p0 .LBB2_2-.Ltmp0, $4  }
0x30: {  	v7 =	vor.u32 $0x380, v9;
	v10 =	vadd.s32 $0x800200, v9;
	v4 =	vor.u32 $0x200, v9;
	[tilespmem:s22+$0xA80] =	vst v8  }
0x31: {  	v11 =	vadd.s32 $0x800180, v9;
	v8 =	vadd.s32 $0x800080, v9;
	[tilespmem:s22+$0xA00] =	vst v10  }
0x32: {  	v9 =	vadd.s32 $0x800100, v9;
	[tilespmem:s22+$0x980] =	vst v11  }
0x33: {  	[tilespmem:s22+$0x900] =	vst v9  }
0x34: {  	[tilespmem:s22+$0x880] =	vst v8  }
0x35: {  	[tilespmem:s22+$0x680] =	vst v6  }
0x36: {  	[tilespmem:s22+$0x780] =	vst v7  }
0x37: {  	[tilespmem:s22+$0x480] =	vst v1  }
0x38: {  	[tilespmem:s22+$0x500] =	vst v2  }
0x39: {  	[tilespmem:s22+$0x700] =	vst v5  }
0x3a: {  	[tilespmem:s22+$0x580] =	vst v3  }
0x3b: {  	[tilespmem:s22+$0x800] =	vst v0  }
0x3c: {  	[tilespmem:s22+$0x600] =	vst v4;
	s28 =	simm.s32 $0x400;
	s22 =	simm.s32 $0x0  }
0x3d: {  	[tilespmem:s19], [sflag:$0x1] =	stream.indirect.gather [hbm4b:s2+s17], $0x1, s28, s17, $0xb8;
	[tilespmem:$0x4400] =	vst v63  }
0x3e: {  	v0 =	vld [tilespmem:s22+$0x80];
	_ =	sdelay $0x4  }
0x3f: {  	v1 =	vshll.u32 v0, $0x3  }
0x40: {  	v0 =	vand.u32 $0x7F, v0;
	v1 =	vand.u32 $0xFFFFFC00, v1  }
0x41: {  	v8 =	vor.u32 v0, v1  }
0x42: {  	[tilespmem:s22+$0xC00] =	vst v8;
	v0 =	vadd.s32 $0x800380, v8  }
0x43: {  	v1 =	vadd.s32 $0x800300, v8;
	[tilespmem:s22+$0x1380] =	vst v0  }
0x44: {  	v2 =	vadd.s32 $0x800280, v8;
	[tilespmem:s22+$0x1300] =	vst v1  }
0x45: {  	v3 =	vadd.s32 $0x800200, v8;
	v6 =	vor.u32 $0x280, v8;
	v4 =	vadd.s32 $0x800180, v8;
	[tilespmem:s22+$0x1280] =	vst v2  }
0x46: {  	v5 =	vor.u32 $0x300, v8;
	v9 =	vadd.s32 $0x800100, v8;
	v7 =	vor.u32 $0x380, v8;
	[tilespmem:s22+$0x1200] =	vst v3  }
0x47: {  	v1 =	vor.u32 $0x80, v8;
	v0 =	vadd.s32 $0x800000, v8;
	v2 =	vor.u32 $0x100, v8;
	[tilespmem:s22+$0x1180] =	vst v4  }
0x48: {  	s24 =	simm.s32 $0x40;
	v3 =	vor.u32 $0x180, v8;
	v4 =	vor.u32 $0x200, v8;
	v8 =	vadd.s32 $0x800080, v8;
	[tilespmem:s22+$0x1100] =	vst v9  }
.LBB2_4:
0x49: {  	s28 =	sshra.s32 s24, $0x2;
	p0 =	sne.s32 s24, $0x1C0;
	s24 =	sadd.s32 $0x40, s24;
	[tilespmem:s22+$0x1080] =	vst v8  }
0x4a: {  	v8 =	vld [tilespmem:s28+$0x80];
	[tilespmem:s22+$0xE80] =	vst v6  }
0x4b: {  	[tilespmem:s22+$0xF80] =	vst v7  }
0x4c: {  	[tilespmem:s22+$0xC80] =	vst v1  }
0x4d: {  	[tilespmem:s22+$0xD00] =	vst v2  }
0x4e: {  	[tilespmem:s22+$0xF00] =	vst v5  }
0x4f: {  	v1 =	vshll.u32 v8, $0x3;
	v2 =	vand.u32 $0x7F, v8;
	[tilespmem:s22+$0xD80] =	vst v3  }
0x50: {  	v1 =	vand.u32 $0xFFFFFC00, v1;
	[tilespmem:s22+$0x1000] =	vst v0  }
0x51: {  	v9 =	vor.u32 v2, v1;
	[tilespmem:s22+$0xE00] =	vst v4;
	s22 =	smov.u32 s28  }
0x52: {  	[tilespmem:s22+$0xC00] =	vst v9;
	v1 =	vor.u32 $0x80, v9;
	v0 =	vadd.s32 $0x800000, v9;
	v3 =	vadd.s32 $0x800380, v9  }
0x53: {  	v2 =	vor.u32 $0x100, v9;
	v6 =	vor.u32 $0x280, v9;
	v4 =	vadd.s32 $0x800300, v9;
	[tilespmem:s22+$0x1380] =	vst v3  }
.Ltmp1:
0x54: {  	v5 =	vor.u32 $0x300, v9;
	v8 =	vadd.s32 $0x800280, v9;
	v3 =	vor.u32 $0x180, v9;
	[tilespmem:s22+$0x1300] =	vst v4;
	(pc) =	sbr.rel @p0 .LBB2_4-.Ltmp1, $4  }
0x55: {  	v7 =	vor.u32 $0x380, v9;
	v10 =	vadd.s32 $0x800200, v9;
	v4 =	vor.u32 $0x200, v9;
	[tilespmem:s22+$0x1280] =	vst v8  }
0x56: {  	v11 =	vadd.s32 $0x800180, v9;
	v8 =	vadd.s32 $0x800080, v9;
	[tilespmem:s22+$0x1200] =	vst v10  }
0x57: {  	v9 =	vadd.s32 $0x800100, v9;
	[tilespmem:s22+$0x1180] =	vst v11  }
0x58: {  	[tilespmem:s22+$0x1100] =	vst v9  }
0x59: {  	[tilespmem:s22+$0x1080] =	vst v8  }
0x5a: {  	[tilespmem:s22+$0xE80] =	vst v6  }
0x5b: {  	[tilespmem:s22+$0xF80] =	vst v7  }
0x5c: {  	[tilespmem:s22+$0xC80] =	vst v1  }
0x5d: {  	[tilespmem:s22+$0xD00] =	vst v2  }
0x5e: {  	[tilespmem:s22+$0xF00] =	vst v5  }
0x5f: {  	[tilespmem:s22+$0xD80] =	vst v3  }
0x60: {  	[tilespmem:s22+$0x1000] =	vst v0  }
0x61: {  	[tilespmem:s22+$0xE00] =	vst v4;
	s28 =	simm.s32 $0xC00;
	s22 =	simm.s32 $0x0  }
0x62: {  	[tilespmem:s21], [sflag:$0x2] =	stream.indirect.gather [hbm4b:s2+s17], $0x1, s28, s17, $0xb8;
	[tilespmem:$0x4400] =	vst v63  }
0x63: {  	v0 =	vld [tilespmem:s22+$0x100];
	_ =	sdelay $0x4  }
0x64: {  	v1 =	vshll.u32 v0, $0x3  }
0x65: {  	v0 =	vand.u32 $0x7F, v0;
	v1 =	vand.u32 $0xFFFFFC00, v1  }
0x66: {  	v8 =	vor.u32 v0, v1  }
0x67: {  	[tilespmem:s22+$0x1400] =	vst v8;
	v0 =	vadd.s32 $0x800380, v8  }
0x68: {  	v1 =	vadd.s32 $0x800300, v8;
	[tilespmem:s22+$0x1B80] =	vst v0  }
0x69: {  	v2 =	vadd.s32 $0x800280, v8;
	[tilespmem:s22+$0x1B00] =	vst v1  }
0x6a: {  	v3 =	vadd.s32 $0x800200, v8;
	v6 =	vor.u32 $0x280, v8;
	v4 =	vadd.s32 $0x800180, v8;
	[tilespmem:s22+$0x1A80] =	vst v2  }
0x6b: {  	v5 =	vor.u32 $0x300, v8;
	v9 =	vadd.s32 $0x800100, v8;
	v7 =	vor.u32 $0x380, v8;
	[tilespmem:s22+$0x1A00] =	vst v3  }
0x6c: {  	v1 =	vor.u32 $0x80, v8;
	v0 =	vadd.s32 $0x800000, v8;
	v2 =	vor.u32 $0x100, v8;
	[tilespmem:s22+$0x1980] =	vst v4  }
0x6d: {  	s24 =	simm.s32 $0x40;
	v3 =	vor.u32 $0x180, v8;
	v4 =	vor.u32 $0x200, v8;
	v8 =	vadd.s32 $0x800080, v8;
	[tilespmem:s22+$0x1900] =	vst v9  }
.LBB2_6:
0x6e: {  	s28 =	sshra.s32 s24, $0x2;
	p0 =	sne.s32 s24, $0x1C0;
	s24 =	sadd.s32 $0x40, s24;
	[tilespmem:s22+$0x1880] =	vst v8  }
0x6f: {  	v8 =	vld [tilespmem:s28+$0x100];
	[tilespmem:s22+$0x1680] =	vst v6  }
0x70: {  	[tilespmem:s22+$0x1780] =	vst v7  }
0x71: {  	[tilespmem:s22+$0x1480] =	vst v1  }
0x72: {  	[tilespmem:s22+$0x1500] =	vst v2  }
0x73: {  	[tilespmem:s22+$0x1700] =	vst v5  }
0x74: {  	v1 =	vshll.u32 v8, $0x3;
	v2 =	vand.u32 $0x7F, v8;
	[tilespmem:s22+$0x1580] =	vst v3  }
0x75: {  	v1 =	vand.u32 $0xFFFFFC00, v1;
	[tilespmem:s22+$0x1800] =	vst v0  }
0x76: {  	v9 =	vor.u32 v2, v1;
	[tilespmem:s22+$0x1600] =	vst v4;
	s22 =	smov.u32 s28  }
0x77: {  	[tilespmem:s22+$0x1400] =	vst v9;
	v1 =	vor.u32 $0x80, v9;
	v0 =	vadd.s32 $0x800000, v9;
	v3 =	vadd.s32 $0x800380, v9  }
0x78: {  	v2 =	vor.u32 $0x100, v9;
	v6 =	vor.u32 $0x280, v9;
	v4 =	vadd.s32 $0x800300, v9;
	[tilespmem:s22+$0x1B80] =	vst v3  }
.Ltmp2:
0x79: {  	v5 =	vor.u32 $0x300, v9;
	v8 =	vadd.s32 $0x800280, v9;
	v3 =	vor.u32 $0x180, v9;
	[tilespmem:s22+$0x1B00] =	vst v4;
	(pc) =	sbr.rel @p0 .LBB2_6-.Ltmp2, $4  }
0x7a: {  	v7 =	vor.u32 $0x380, v9;
	v10 =	vadd.s32 $0x800200, v9;
	v4 =	vor.u32 $0x200, v9;
	[tilespmem:s22+$0x1A80] =	vst v8  }
0x7b: {  	v11 =	vadd.s32 $0x800180, v9;
	v8 =	vadd.s32 $0x800080, v9;
	[tilespmem:s22+$0x1A00] =	vst v10  }
0x7c: {  	v9 =	vadd.s32 $0x800100, v9;
	[tilespmem:s22+$0x1980] =	vst v11  }
0x7d: {  	[tilespmem:s22+$0x1900] =	vst v9  }
0x7e: {  	[tilespmem:s22+$0x1880] =	vst v8  }
0x7f: {  	[tilespmem:s22+$0x1680] =	vst v6  }
0x80: {  	[tilespmem:s22+$0x1780] =	vst v7  }
0x81: {  	[tilespmem:s22+$0x1480] =	vst v1  }
0x82: {  	[tilespmem:s22+$0x1500] =	vst v2  }
0x83: {  	[tilespmem:s22+$0x1700] =	vst v5  }
0x84: {  	[tilespmem:s22+$0x1580] =	vst v3  }
0x85: {  	[tilespmem:s22+$0x1800] =	vst v0  }
0x86: {  	[tilespmem:s22+$0x1600] =	vst v4;
	s28 =	simm.s32 $0x1400;
	s22 =	simm.s32 $0x0  }
0x87: {  	[tilespmem:s23], [sflag:$0x3] =	stream.indirect.gather [hbm4b:s2+s17], $0x1, s28, s17, $0xb8;
	[tilespmem:$0x4400] =	vst v63  }
0x88: {  	v0 =	vld [tilespmem:s22+$0x180];
	_ =	sdelay $0x4  }
0x89: {  	v1 =	vshll.u32 v0, $0x3  }
0x8a: {  	v0 =	vand.u32 $0x7F, v0;
	v1 =	vand.u32 $0xFFFFFC00, v1  }
0x8b: {  	v8 =	vor.u32 v0, v1  }
0x8c: {  	[tilespmem:s22+$0x1C00] =	vst v8;
	v0 =	vadd.s32 $0x800380, v8  }
0x8d: {  	v1 =	vadd.s32 $0x800300, v8;
	[tilespmem:s22+$0x2380] =	vst v0  }
0x8e: {  	v2 =	vadd.s32 $0x800280, v8;
	[tilespmem:s22+$0x2300] =	vst v1  }
0x8f: {  	v3 =	vadd.s32 $0x800200, v8;
	v6 =	vor.u32 $0x280, v8;
	v4 =	vadd.s32 $0x800180, v8;
	[tilespmem:s22+$0x2280] =	vst v2  }
0x90: {  	v5 =	vor.u32 $0x300, v8;
	v9 =	vadd.s32 $0x800100, v8;
	v7 =	vor.u32 $0x380, v8;
	[tilespmem:s22+$0x2200] =	vst v3  }
0x91: {  	v1 =	vor.u32 $0x80, v8;
	v0 =	vadd.s32 $0x800000, v8;
	v2 =	vor.u32 $0x100, v8;
	[tilespmem:s22+$0x2180] =	vst v4  }
0x92: {  	s24 =	simm.s32 $0x40;
	v3 =	vor.u32 $0x180, v8;
	v4 =	vor.u32 $0x200, v8;
	v8 =	vadd.s32 $0x800080, v8;
	[tilespmem:s22+$0x2100] =	vst v9  }
.LBB2_8:
0x93: {  	s28 =	sshra.s32 s24, $0x2;
	p0 =	sne.s32 s24, $0x1C0;
	s24 =	sadd.s32 $0x40, s24;
	[tilespmem:s22+$0x2080] =	vst v8  }
0x94: {  	v8 =	vld [tilespmem:s28+$0x180];
	[tilespmem:s22+$0x1E80] =	vst v6  }
0x95: {  	[tilespmem:s22+$0x1F80] =	vst v7  }
0x96: {  	[tilespmem:s22+$0x1C80] =	vst v1  }
0x97: {  	[tilespmem:s22+$0x1D00] =	vst v2  }
0x98: {  	[tilespmem:s22+$0x1F00] =	vst v5  }
0x99: {  	v1 =	vshll.u32 v8, $0x3;
	v2 =	vand.u32 $0x7F, v8;
	[tilespmem:s22+$0x1D80] =	vst v3  }
0x9a: {  	v1 =	vand.u32 $0xFFFFFC00, v1;
	[tilespmem:s22+$0x2000] =	vst v0  }
0x9b: {  	v9 =	vor.u32 v2, v1;
	[tilespmem:s22+$0x1E00] =	vst v4;
	s22 =	smov.u32 s28  }
0x9c: {  	[tilespmem:s22+$0x1C00] =	vst v9;
	v1 =	vor.u32 $0x80, v9;
	v0 =	vadd.s32 $0x800000, v9;
	v3 =	vadd.s32 $0x800380, v9  }
0x9d: {  	v2 =	vor.u32 $0x100, v9;
	v6 =	vor.u32 $0x280, v9;
	v4 =	vadd.s32 $0x800300, v9;
	[tilespmem:s22+$0x2380] =	vst v3  }
.Ltmp3:
0x9e: {  	v5 =	vor.u32 $0x300, v9;
	v8 =	vadd.s32 $0x800280, v9;
	v3 =	vor.u32 $0x180, v9;
	[tilespmem:s22+$0x2300] =	vst v4;
	(pc) =	sbr.rel @p0 .LBB2_8-.Ltmp3, $4  }
0x9f: {  	v7 =	vor.u32 $0x380, v9;
	v10 =	vadd.s32 $0x800200, v9;
	v4 =	vor.u32 $0x200, v9;
	[tilespmem:s22+$0x2280] =	vst v8  }
0xa0: {  	v11 =	vadd.s32 $0x800180, v9;
	v8 =	vadd.s32 $0x800080, v9;
	[tilespmem:s22+$0x2200] =	vst v10  }
0xa1: {  	v9 =	vadd.s32 $0x800100, v9;
	[tilespmem:s22+$0x2180] =	vst v11  }
0xa2: {  	[tilespmem:s22+$0x2100] =	vst v9  }
0xa3: {  	[tilespmem:s22+$0x2080] =	vst v8  }
0xa4: {  	[tilespmem:s22+$0x1E80] =	vst v6  }
0xa5: {  	[tilespmem:s22+$0x1F80] =	vst v7  }
0xa6: {  	[tilespmem:s22+$0x1C80] =	vst v1  }
0xa7: {  	[tilespmem:s22+$0x1D00] =	vst v2  }
0xa8: {  	[tilespmem:s22+$0x1F00] =	vst v5  }
0xa9: {  	[tilespmem:s22+$0x1D80] =	vst v3  }
0xaa: {  	[tilespmem:s22+$0x2000] =	vst v0  }
0xab: {  	[tilespmem:s22+$0x1E00] =	vst v4;
	s28 =	simm.s32 $0x1C00  }
0xac: {  	[tilespmem:s25], [sflag:$0x4] =	stream.indirect.gather [hbm4b:s2+s17], $0x1, s28, s17, $0xb8;
	[tilespmem:$0x4400] =	vst v63  }
0xad: {  	_ =	swait.ge [sflag:s26], $0x800  }
0xae: {  	[sflag:s26] =	ssyncset.done $0x0  }
0xaf: {  	[sflag:s26] =	ssyncadd.s32 $0xFFFFF800  }
0xb0: {  	v6 =	vld [tilespmem:$0x200]  }
0xb1: {  	v7 =	vld [tilespmem:$0x210]  }
0xb2: {  	v5 =	vld [tilespmem:$0x220]  }
0xb3: {  	v4 =	vld [tilespmem:$0x230]  }
0xb4: {  	v3 =	vld [tilespmem:$0x240]  }
0xb5: {  	v2 =	vld [tilespmem:$0x250]  }
0xb6: {  	v1 =	vld [tilespmem:$0x260]  }
0xb7: {  	s22 =	simm.s32 $0x0;
	v0 =	vld [tilespmem:$0x270]  }
0xb8: {  	v11 =	vld [tilespmem:s22+$0x2400]  }
0xb9: {  	v13 =	vld [tilespmem:s22+$0x2410]  }
0xba: {  	v12 =	vld [tilespmem:s22+$0x2420]  }
0xbb: {  	v10 =	vld [tilespmem:s22+$0x2430]  }
0xbc: {  	v8 =	vld [tilespmem:s22+$0x2440]  }
0xbd: {  	v9 =	vld [tilespmem:s22+$0x2450];
	v14 =	vmul.f32 v11, v6  }
0xbe: {  	s24 =	simm.s32 $0x200;
	v13 =	vmul.f32 v13, v7;
	v11 =	vld [tilespmem:s22+$0x2460]  }
.LBB2_10:
0xbf: {  	s28 =	sshra.s32 s24, $0x2;
	p0 =	sne.s32 s24, $0x1E00;
	[tilespmem:s22+$0x2400] =	vst v14;
	v12 =	vmul.f32 v12, v5;
	v14 =	vld [tilespmem:s22+$0x2470]  }
0xc0: {  	v15 =	vld [tilespmem:s28+$0x2400];
	[tilespmem:s22+$0x2410] =	vst v13;
	v10 =	vmul.f32 v10, v4  }
0xc1: {  	v13 =	vld [tilespmem:s28+$0x2410];
	[tilespmem:s22+$0x2420] =	vst v12;
	v8 =	vmul.f32 v8, v3  }
.Ltmp4:
0xc2: {  	v12 =	vld [tilespmem:s28+$0x2420];
	[tilespmem:s22+$0x2430] =	vst v10;
	v9 =	vmul.f32 v9, v2;
	(pc) =	sbr.rel @p0 .LBB2_10-.Ltmp4, $4  }
0xc3: {  	v10 =	vld [tilespmem:s28+$0x2430];
	[tilespmem:s22+$0x2440] =	vst v8;
	v11 =	vmul.f32 v11, v1  }
0xc4: {  	v8 =	vld [tilespmem:s28+$0x2440];
	[tilespmem:s22+$0x2450] =	vst v9;
	v16 =	vmul.f32 v14, v0  }
0xc5: {  	v14 =	vmul.f32 v15, v6;
	v9 =	vld [tilespmem:s28+$0x2450];
	[tilespmem:s22+$0x2460] =	vst v11  }
0xc6: {  	s24 =	sadd.s32 $0x200, s24;
	v13 =	vmul.f32 v13, v7;
	v11 =	vld [tilespmem:s28+$0x2460];
	[tilespmem:s22+$0x2470] =	vst v16;
	s22 =	smov.u32 s28  }
0xc7: {  	[tilespmem:s22+$0x2400] =	vst v14;
	v5 =	vmul.f32 v12, v5;
	v6 =	vld [tilespmem:s22+$0x2470]  }
0xc8: {  	[tilespmem:s22+$0x2410] =	vst v13;
	v4 =	vmul.f32 v10, v4  }
0xc9: {  	[tilespmem:s22+$0x2420] =	vst v5;
	v3 =	vmul.f32 v8, v3  }
0xca: {  	[tilespmem:s22+$0x2430] =	vst v4;
	v2 =	vmul.f32 v9, v2  }
0xcb: {  	[tilespmem:s22+$0x2440] =	vst v3;
	v1 =	vmul.f32 v11, v1  }
0xcc: {  	[tilespmem:s22+$0x2450] =	vst v2;
	v0 =	vmul.f32 v6, v0  }
0xcd: {  	[tilespmem:s22+$0x2460] =	vst v1  }
0xce: {  	s28 =	simm.s32 $0x0;
	[tilespmem:s22+$0x2470] =	vst v0  }
0xcf: {  	[hbm4b:s5+s28] =	stream.linear.scatter [tilespmem:s19], [sflag:$0x5], $0x400, $0x38;
	[tilespmem:$0x4400] =	vst v63  }
0xd0: {  	s24 =	simm.s32 $0x2800  }
0xd1: {  	[hbm4b:s7+s28] =	stream.linear.scatter [tilespmem:s24], [sflag:$0x5], $0x400, $0x38;
	[tilespmem:$0x4400] =	vst v63  }
0xd2: {  	_ =	swait.ge [sflag:s29], $0x800  }
0xd3: {  	[sflag:s29] =	ssyncset.done $0x0  }
0xd4: {  	[sflag:s29] =	ssyncadd.s32 $0xFFFFF800  }
0xd5: {  	v6 =	vld [tilespmem:$0x280]  }
0xd6: {  	v7 =	vld [tilespmem:$0x290]  }
0xd7: {  	v5 =	vld [tilespmem:$0x2A0]  }
0xd8: {  	v4 =	vld [tilespmem:$0x2B0]  }
0xd9: {  	v3 =	vld [tilespmem:$0x2C0]  }
0xda: {  	v2 =	vld [tilespmem:$0x2D0]  }
0xdb: {  	v1 =	vld [tilespmem:$0x2E0]  }
0xdc: {  	s22 =	simm.s32 $0x0;
	v0 =	vld [tilespmem:$0x2F0]  }
0xdd: {  	v11 =	vld [tilespmem:s22+$0x2C00]  }
0xde: {  	v13 =	vld [tilespmem:s22+$0x2C10]  }
0xdf: {  	v12 =	vld [tilespmem:s22+$0x2C20]  }
0xe0: {  	v10 =	vld [tilespmem:s22+$0x2C30]  }
0xe1: {  	v8 =	vld [tilespmem:s22+$0x2C40]  }
0xe2: {  	v9 =	vld [tilespmem:s22+$0x2C50];
	v14 =	vmul.f32 v11, v6  }
0xe3: {  	s24 =	simm.s32 $0x200;
	v13 =	vmul.f32 v13, v7;
	v11 =	vld [tilespmem:s22+$0x2C60]  }
.LBB2_12:
0xe4: {  	s28 =	sshra.s32 s24, $0x2;
	p0 =	sne.s32 s24, $0x1E00;
	[tilespmem:s22+$0x2C00] =	vst v14;
	v12 =	vmul.f32 v12, v5;
	v14 =	vld [tilespmem:s22+$0x2C70]  }
0xe5: {  	v15 =	vld [tilespmem:s28+$0x2C00];
	[tilespmem:s22+$0x2C10] =	vst v13;
	v10 =	vmul.f32 v10, v4  }
0xe6: {  	v13 =	vld [tilespmem:s28+$0x2C10];
	[tilespmem:s22+$0x2C20] =	vst v12;
	v8 =	vmul.f32 v8, v3  }
.Ltmp5:
0xe7: {  	v12 =	vld [tilespmem:s28+$0x2C20];
	[tilespmem:s22+$0x2C30] =	vst v10;
	v9 =	vmul.f32 v9, v2;
	(pc) =	sbr.rel @p0 .LBB2_12-.Ltmp5, $4  }
0xe8: {  	v10 =	vld [tilespmem:s28+$0x2C30];
	[tilespmem:s22+$0x2C40] =	vst v8;
	v11 =	vmul.f32 v11, v1  }
0xe9: {  	v8 =	vld [tilespmem:s28+$0x2C40];
	[tilespmem:s22+$0x2C50] =	vst v9;
	v16 =	vmul.f32 v14, v0  }
0xea: {  	v14 =	vmul.f32 v15, v6;
	v9 =	vld [tilespmem:s28+$0x2C50];
	[tilespmem:s22+$0x2C60] =	vst v11  }
0xeb: {  	s24 =	sadd.s32 $0x200, s24;
	v13 =	vmul.f32 v13, v7;
	v11 =	vld [tilespmem:s28+$0x2C60];
	[tilespmem:s22+$0x2C70] =	vst v16;
	s22 =	smov.u32 s28  }
0xec: {  	[tilespmem:s22+$0x2C00] =	vst v14;
	v5 =	vmul.f32 v12, v5;
	v6 =	vld [tilespmem:s22+$0x2C70]  }
0xed: {  	[tilespmem:s22+$0x2C10] =	vst v13;
	v4 =	vmul.f32 v10, v4  }
0xee: {  	[tilespmem:s22+$0x2C20] =	vst v5;
	v3 =	vmul.f32 v8, v3  }
0xef: {  	[tilespmem:s22+$0x2C30] =	vst v4;
	v2 =	vmul.f32 v9, v2  }
0xf0: {  	[tilespmem:s22+$0x2C40] =	vst v3;
	v1 =	vmul.f32 v11, v1  }
0xf1: {  	[tilespmem:s22+$0x2C50] =	vst v2;
	v0 =	vmul.f32 v6, v0  }
0xf2: {  	[tilespmem:s22+$0x2C60] =	vst v1  }
0xf3: {  	s28 =	simm.s32 $0x0;
	[tilespmem:s22+$0x2C70] =	vst v0  }
0xf4: {  	[hbm4b:s8+s28] =	stream.linear.scatter [tilespmem:s21], [sflag:$0x5], $0x400, $0x38;
	[tilespmem:$0x4400] =	vst v63  }
0xf5: {  	_ = 	snop  }
0xf6: {  	[hbm4b:s9+s28] =	stream.linear.scatter [tilespmem:s30], [sflag:$0x5], $0x400, $0x38;
	[tilespmem:$0x4400] =	vst v63  }
0xf7: {  	_ =	swait.ge [sflag:s31], $0x800  }
0xf8: {  	[sflag:s31] =	ssyncset.done $0x0  }
0xf9: {  	[sflag:s31] =	ssyncadd.s32 $0xFFFFF800  }
0xfa: {  	v6 =	vld [tilespmem:$0x300]  }
0xfb: {  	v7 =	vld [tilespmem:$0x310]  }
0xfc: {  	v5 =	vld [tilespmem:$0x320]  }
0xfd: {  	v4 =	vld [tilespmem:$0x330]  }
0xfe: {  	v3 =	vld [tilespmem:$0x340]  }
0xff: {  	v2 =	vld [tilespmem:$0x350]  }
0x100: {  	v1 =	vld [tilespmem:$0x360]  }
0x101: {  	s22 =	simm.s32 $0x0;
	v0 =	vld [tilespmem:$0x370]  }
0x102: {  	v11 =	vld [tilespmem:s22+$0x3400]  }
0x103: {  	v13 =	vld [tilespmem:s22+$0x3410]  }
0x104: {  	v12 =	vld [tilespmem:s22+$0x3420]  }
0x105: {  	v10 =	vld [tilespmem:s22+$0x3430]  }
0x106: {  	v8 =	vld [tilespmem:s22+$0x3440]  }
0x107: {  	v9 =	vld [tilespmem:s22+$0x3450];
	v14 =	vmul.f32 v11, v6  }
0x108: {  	s24 =	simm.s32 $0x200;
	v13 =	vmul.f32 v13, v7;
	v11 =	vld [tilespmem:s22+$0x3460]  }
.LBB2_14:
0x109: {  	s28 =	sshra.s32 s24, $0x2;
	p0 =	sne.s32 s24, $0x1E00;
	[tilespmem:s22+$0x3400] =	vst v14;
	v12 =	vmul.f32 v12, v5;
	v14 =	vld [tilespmem:s22+$0x3470]  }
0x10a: {  	v15 =	vld [tilespmem:s28+$0x3400];
	[tilespmem:s22+$0x3410] =	vst v13;
	v10 =	vmul.f32 v10, v4  }
0x10b: {  	v13 =	vld [tilespmem:s28+$0x3410];
	[tilespmem:s22+$0x3420] =	vst v12;
	v8 =	vmul.f32 v8, v3  }
.Ltmp6:
0x10c: {  	v12 =	vld [tilespmem:s28+$0x3420];
	[tilespmem:s22+$0x3430] =	vst v10;
	v9 =	vmul.f32 v9, v2;
	(pc) =	sbr.rel @p0 .LBB2_14-.Ltmp6, $4  }
0x10d: {  	v10 =	vld [tilespmem:s28+$0x3430];
	[tilespmem:s22+$0x3440] =	vst v8;
	v11 =	vmul.f32 v11, v1  }
0x10e: {  	v8 =	vld [tilespmem:s28+$0x3440];
	[tilespmem:s22+$0x3450] =	vst v9;
	v16 =	vmul.f32 v14, v0  }
0x10f: {  	v14 =	vmul.f32 v15, v6;
	v9 =	vld [tilespmem:s28+$0x3450];
	[tilespmem:s22+$0x3460] =	vst v11  }
0x110: {  	s24 =	sadd.s32 $0x200, s24;
	v13 =	vmul.f32 v13, v7;
	v11 =	vld [tilespmem:s28+$0x3460];
	[tilespmem:s22+$0x3470] =	vst v16;
	s22 =	smov.u32 s28  }
0x111: {  	[tilespmem:s22+$0x3400] =	vst v14;
	v5 =	vmul.f32 v12, v5;
	v6 =	vld [tilespmem:s22+$0x3470]  }
0x112: {  	[tilespmem:s22+$0x3410] =	vst v13;
	v4 =	vmul.f32 v10, v4  }
0x113: {  	[tilespmem:s22+$0x3420] =	vst v5;
	v3 =	vmul.f32 v8, v3  }
0x114: {  	[tilespmem:s22+$0x3430] =	vst v4;
	v2 =	vmul.f32 v9, v2  }
0x115: {  	[tilespmem:s22+$0x3440] =	vst v3;
	v1 =	vmul.f32 v11, v1  }
0x116: {  	[tilespmem:s22+$0x3450] =	vst v2;
	v0 =	vmul.f32 v6, v0  }
0x117: {  	[tilespmem:s22+$0x3460] =	vst v1  }
0x118: {  	s28 =	simm.s32 $0x0;
	[tilespmem:s22+$0x3470] =	vst v0  }
0x119: {  	[hbm4b:s10+s28] =	stream.linear.scatter [tilespmem:s23], [sflag:$0x5], $0x400, $0x38;
	[tilespmem:$0x4400] =	vst v63  }
0x11a: {  	_ = 	snop  }
0x11b: {  	[hbm4b:s11+s28] =	stream.linear.scatter [tilespmem:s0], [sflag:$0x5], $0x400, $0x38;
	[tilespmem:$0x4400] =	vst v63  }
0x11c: {  	_ =	swait.ge [sflag:s1], $0x800  }
0x11d: {  	[sflag:s1] =	ssyncset.done $0x0  }
0x11e: {  	[sflag:s1] =	ssyncadd.s32 $0xFFFFF800  }
0x11f: {  	v6 =	vld [tilespmem:$0x380]  }
0x120: {  	v7 =	vld [tilespmem:$0x390]  }
0x121: {  	v5 =	vld [tilespmem:$0x3A0]  }
0x122: {  	v4 =	vld [tilespmem:$0x3B0]  }
0x123: {  	v3 =	vld [tilespmem:$0x3C0]  }
0x124: {  	v2 =	vld [tilespmem:$0x3D0]  }
0x125: {  	v1 =	vld [tilespmem:$0x3E0]  }
0x126: {  	s22 =	simm.s32 $0x0;
	v0 =	vld [tilespmem:$0x3F0]  }
0x127: {  	v11 =	vld [tilespmem:s22+$0x3C00]  }
0x128: {  	v13 =	vld [tilespmem:s22+$0x3C10]  }
0x129: {  	v12 =	vld [tilespmem:s22+$0x3C20]  }
0x12a: {  	v10 =	vld [tilespmem:s22+$0x3C30]  }
0x12b: {  	v8 =	vld [tilespmem:s22+$0x3C40]  }
0x12c: {  	v9 =	vld [tilespmem:s22+$0x3C50];
	v14 =	vmul.f32 v11, v6  }
0x12d: {  	s24 =	simm.s32 $0x200;
	v13 =	vmul.f32 v13, v7;
	v11 =	vld [tilespmem:s22+$0x3C60]  }
.LBB2_16:
0x12e: {  	s28 =	sshra.s32 s24, $0x2;
	p0 =	sne.s32 s24, $0x1E00;
	[tilespmem:s22+$0x3C00] =	vst v14;
	v12 =	vmul.f32 v12, v5;
	v14 =	vld [tilespmem:s22+$0x3C70]  }
0x12f: {  	v15 =	vld [tilespmem:s28+$0x3C00];
	[tilespmem:s22+$0x3C10] =	vst v13;
	v10 =	vmul.f32 v10, v4  }
0x130: {  	v13 =	vld [tilespmem:s28+$0x3C10];
	[tilespmem:s22+$0x3C20] =	vst v12;
	v8 =	vmul.f32 v8, v3  }
.Ltmp7:
0x131: {  	v12 =	vld [tilespmem:s28+$0x3C20];
	[tilespmem:s22+$0x3C30] =	vst v10;
	v9 =	vmul.f32 v9, v2;
	(pc) =	sbr.rel @p0 .LBB2_16-.Ltmp7, $4  }
0x132: {  	v10 =	vld [tilespmem:s28+$0x3C30];
	[tilespmem:s22+$0x3C40] =	vst v8;
	v11 =	vmul.f32 v11, v1  }
0x133: {  	v8 =	vld [tilespmem:s28+$0x3C40];
	[tilespmem:s22+$0x3C50] =	vst v9;
	v16 =	vmul.f32 v14, v0  }
0x134: {  	v14 =	vmul.f32 v15, v6;
	v9 =	vld [tilespmem:s28+$0x3C50];
	[tilespmem:s22+$0x3C60] =	vst v11  }
0x135: {  	s24 =	sadd.s32 $0x200, s24;
	v13 =	vmul.f32 v13, v7;
	v11 =	vld [tilespmem:s28+$0x3C60];
	[tilespmem:s22+$0x3C70] =	vst v16;
	s22 =	smov.u32 s28  }
0x136: {  	[tilespmem:s22+$0x3C00] =	vst v14;
	v5 =	vmul.f32 v12, v5;
	v6 =	vld [tilespmem:s22+$0x3C70]  }
0x137: {  	[tilespmem:s22+$0x3C10] =	vst v13;
	v4 =	vmul.f32 v10, v4  }
0x138: {  	[tilespmem:s22+$0x3C20] =	vst v5;
	v3 =	vmul.f32 v8, v3  }
0x139: {  	[tilespmem:s22+$0x3C30] =	vst v4;
	v2 =	vmul.f32 v9, v2  }
0x13a: {  	[tilespmem:s22+$0x3C40] =	vst v3;
	v1 =	vmul.f32 v11, v1  }
0x13b: {  	[tilespmem:s22+$0x3C50] =	vst v2;
	v0 =	vmul.f32 v6, v0  }
0x13c: {  	[tilespmem:s22+$0x3C60] =	vst v1  }
0x13d: {  	[tilespmem:s22+$0x3C70] =	vst v0  }
0x13e: {  	[hbm4b:s12+s3] =	stream.linear.scatter [tilespmem:s25], [sflag:$0x5], $0x400, $0x38;
	[tilespmem:$0x4400] =	vst v63  }
0x13f: {  	_ = 	snop  }
0x140: {  	[hbm4b:s13+s3] =	stream.linear.scatter [tilespmem:s16], [sflag:$0x5], $0x400, $0x38;
	[tilespmem:$0x4400] =	vst v63  }
0x141: {  	_ =	swait.ge [sflag:s18], $0x400  }
0x142: {  	[sflag:s18] =	ssyncset.done $0x0  }
0x143: {  	[sflag:s18] =	ssyncadd.s32 $0xFFFFFC00  }
0x144: {  	_ =	swait.ge [sflag:s18], $0x400  }
0x145: {  	[sflag:s18] =	ssyncset.done $0x0  }
0x146: {  	[sflag:s18] =	ssyncadd.s32 $0xFFFFFC00  }
0x147: {  	_ =	swait.ge [sflag:s18], $0x400  }
0x148: {  	[sflag:s18] =	ssyncset.done $0x0  }
0x149: {  	[sflag:s18] =	ssyncadd.s32 $0xFFFFFC00  }
0x14a: {  	_ =	swait.ge [sflag:s18], $0x400  }
0x14b: {  	[sflag:s18] =	ssyncset.done $0x0  }
0x14c: {  	[sflag:s18] =	ssyncadd.s32 $0xFFFFFC00  }
0x14d: {  	_ =	swait.ge [sflag:s18], $0x400  }
0x14e: {  	[sflag:s18] =	ssyncset.done $0x0  }
0x14f: {  	[sflag:s18] =	ssyncadd.s32 $0xFFFFFC00  }
0x150: {  	_ =	swait.ge [sflag:s18], $0x400  }
0x151: {  	[sflag:s18] =	ssyncset.done $0x0  }
0x152: {  	s20 =	sadd.s32 $0x1, s20;
	[sflag:s18] =	ssyncadd.s32 $0xFFFFFC00  }
0x153: {  	p0 =	sne.s32 s20, s14;
	_ =	swait.ge [sflag:s18], $0x400  }
.Ltmp8:
0x154: {  	[sflag:s18] =	ssyncset.done $0x0;
	(pc) =	sbr.rel @p0 .LBB2_1-.Ltmp8, $4  }
0x155: {  	[sflag:s18] =	ssyncadd.s32 $0xFFFFFC00  }
0x156: {  	_ =	swait.ge [sflag:s18], $0x400  }
0x157: {  	[sflag:s18] =	ssyncset.done $0x0  }
0x158: {  	[sflag:s18] =	ssyncadd.s32 $0xFFFFFC00  }
0x159: {  	_ =	sfence.sel $0x180000  }
0x15a: {  	[bflag:$0x0] =	sbarrier.arrive $0xFFFF  }
0x15b: {  	_ =	strace $0x90000047  }
0x15c: {  	s0 =	stileid.u32;
	[bflag:$0x2] =	sbarrier.arrive $0xFFFF  }
0x15d: {  	p0 =	sne.s32 s0, $0x0;
	s0 =	rddreg [dreg:$0x3]  }
0x15e: {  	s0 =	sadd.s32 @!p0 $0x100000, s0  }
0x15f: {  	[sflag:s0] =	ssyncadd.tile.s32 @!p0 $0x1;
	_ =	shalt  }
.Lfunc_end2:
_tile_overlayer_lowered:
.L_overlay_start_2:
0x160: {  	(tag) =	ssettag $0x2  }
0x161: {  	s0 =	rddreg [dreg:$0x0];
	s2 =	stileid.u32  }
0x162: {  	s1 =	rddreg [dreg:$0x1];
	p0 =	sne.s32 s2, $0x0  }
0x163: {  	s3 =	rddreg [dreg:$0x2];
	[bflag:$0x3] =	sbarrier.arrive $0xFFFF;
	s2 =	simm.s32 @!p0 $0x1C06  }
0x164: {  	[timem:s3], [sflag:s2] =	dma.local @!p0 [hbm:s0], s1  }
0x165: {  	s0 =	simm.s32 @!p0 $0x6  }
0x166: {  	_ =	swait.ge @!p0 [sflag:s0], s1  }
0x167: {  	s1 =	ssub.s32 @!p0 $0x0, s1;
	[sflag:s0] =	ssyncset.done @!p0 $0x0  }
0x168: {  	[sflag:s0] =	ssyncadd.s32 @!p0 s1  }
0x169: {  	[bflag:$0x3] =	sbarrier.arrive $0xFFFF  }
0x16a: {  	_ =	shalt  }

</sc_bundles>
